<compile_context>
chip_gen: v7x
topology: tpu7x:2x2x1
jax: 0.10.2.dev20260603
libtpu: 0.0.44.dev20260713+nightly
codegen_flags: <defaults>
</compile_context>

<pallas_src>
import functools

import jax
import jax.numpy as jnp
import numpy as np
from jax.experimental import pallas as pl

_BN_EPS = 1e-5


def _fold(layers):
    out = []
    s = 1.0 / np.sqrt(1.0 + _BN_EPS)
    for (W, b, g, be) in layers:
        sc = g * s
        out.append((W * sc[None, :], (b * sc + be).reshape(1, -1)))
    return out


def _sqdist(src, dst):
    d = -2.0 * jnp.matmul(src, dst.transpose(0, 2, 1))
    d = d + jnp.sum(src ** 2, -1)[:, :, None]
    d = d + jnp.sum(dst ** 2, -1)[:, None, :]
    return d


def _fps(xyz, npoint):
    B, N, _ = xyz.shape

    def body(i, state):
        centroids, distance, farthest = state
        centroids = centroids.at[:, i].set(farthest)
        centroid = jnp.take_along_axis(xyz, farthest[:, None, None], axis=1)
        dist = jnp.sum((xyz - centroid) ** 2, -1)
        distance = jnp.minimum(distance, dist)
        farthest = jnp.argmax(distance, axis=-1).astype(jnp.int32)
        return (centroids, distance, farthest)

    init = (jnp.zeros((B, npoint), jnp.int32),
            jnp.full((B, N), 1e10, jnp.float32),
            jnp.zeros((B,), jnp.int32))
    centroids, _, _ = jax.lax.fori_loop(0, npoint, body, init)
    return centroids


def _query_ball(radius, nsample, xyz, new_xyz):
    B, N, _ = xyz.shape
    S = new_xyz.shape[1]
    sqr = _sqdist(new_xyz, xyz)
    idx = jnp.broadcast_to(jnp.arange(N, dtype=jnp.int32)[None, None, :], (B, S, N))
    idx = jnp.where(sqr > radius ** 2, N, idx)
    idx = jnp.sort(idx, axis=-1)[:, :, :nsample]
    first = jnp.broadcast_to(idx[:, :, :1], idx.shape)
    idx = jnp.where(idx == N, first, idx)
    return idx


def _sa_body(ns, cpc, nlayers, tab_ref, gidx_ref, cpad_ref, *refs):
    out_ref = refs[-1]
    tab = tab_ref[0]
    gi = gidx_ref[0]
    cpad = cpad_ref[0]
    N = tab.shape[0]
    Lc = gi.shape[0]
    oh = (jax.lax.broadcasted_iota(jnp.int32, (Lc, N), 1) == gi).astype(jnp.float32)
    grouped = jnp.dot(oh, tab, preferred_element_type=jnp.float32)
    rsel = (jax.lax.broadcasted_iota(jnp.int32, (Lc, cpc), 0) // ns
            == jax.lax.broadcasted_iota(jnp.int32, (Lc, cpc), 1)).astype(jnp.float32)
    grouped = grouped - jnp.dot(rsel, cpad, preferred_element_type=jnp.float32)
    x = grouped
    for i in range(nlayers):
        W = refs[2 * i][...]
        b = refs[2 * i + 1][...]
        x = jnp.maximum(jnp.dot(x, W, preferred_element_type=jnp.float32) + b, 0.0)
    x = x.reshape(cpc, ns, x.shape[-1])
    out_ref[0] = jnp.max(x, axis=1)


def _ga_body(nlayers, g_ref, *refs):
    out_ref = refs[-1]
    x = g_ref[0]
    for i in range(nlayers):
        W = refs[2 * i][...]
        b = refs[2 * i + 1][...]
        x = jnp.maximum(jnp.dot(x, W, preferred_element_type=jnp.float32) + b, 0.0)
    out_ref[0] = jnp.max(x, axis=0, keepdims=True)


def _fp1_body(p1_ref, p2_ref, wa_ref, wb_ref, b1_ref, w2_ref, b2_ref, out_ref):
    p1 = p1_ref[0]
    p2 = p2_ref[0]
    h = jnp.maximum(
        jnp.dot(p1, wa_ref[...], preferred_element_type=jnp.float32)
        + jnp.dot(p2, wb_ref[...], preferred_element_type=jnp.float32)
        + b1_ref[...], 0.0)
    out_ref[0] = jnp.maximum(
        jnp.dot(h, w2_ref[...], preferred_element_type=jnp.float32) + b2_ref[...], 0.0)


def _fp_body(has_head, x1_ref, x2_ref, p1_ref, p2_ref, *refs):
    out_ref = refs[-1]
    x1 = x1_ref[0]
    x2 = x2_ref[0]
    p1 = p1_ref[0]
    p2 = p2_ref[0]
    N1 = x1.shape[0]
    S2 = x2.shape[0]
    d = (-2.0 * jax.lax.dot_general(x1, x2, (((1,), (1,)), ((), ())),
                                    preferred_element_type=jnp.float32)
         + jnp.sum(x1 * x1, axis=1, keepdims=True)
         + jnp.sum(x2 * x2, axis=1, keepdims=True).reshape(1, S2))
    dd = d
    Wm = jnp.zeros((N1, S2), jnp.float32)
    wsum = jnp.zeros((N1, 1), jnp.float32)
    lane = jax.lax.broadcasted_iota(jnp.int32, (N1, S2), 1)
    for _ in range(3):
        mn = jnp.min(dd, axis=1, keepdims=True)
        am = jnp.argmin(dd, axis=1).astype(jnp.int32)
        oh = (lane == am[:, None]).astype(jnp.float32)
        w = 1.0 / (mn + 1e-8)
        Wm = Wm + oh * w
        wsum = wsum + w
        dd = jnp.where(oh > 0.0, jnp.float32(1e30), dd)
    Wm = Wm / wsum
    interp = jnp.dot(Wm, p2, preferred_element_type=jnp.float32)
    h = jnp.maximum(
        jnp.dot(p1, refs[0][...], preferred_element_type=jnp.float32)
        + jnp.dot(interp, refs[1][...], preferred_element_type=jnp.float32)
        + refs[2][...], 0.0)
    h = jnp.maximum(jnp.dot(h, refs[3][...], preferred_element_type=jnp.float32)
                    + refs[4][...], 0.0)
    if has_head:
        h = jnp.maximum(jnp.dot(h, refs[5][...], preferred_element_type=jnp.float32)
                        + refs[6][...], 0.0)
        lg = jnp.dot(h, refs[7][...], preferred_element_type=jnp.float32) + refs[8][...]
        mx = jnp.max(lg, axis=1, keepdims=True)
        lse = jnp.log(jnp.sum(jnp.exp(lg - mx), axis=1, keepdims=True))
        out_ref[0] = lg - mx - lse
    else:
        out_ref[0] = h


def _wspecs(pairs, ngrid):
    specs, args = [], []
    zmap2 = (lambda b, c: (0, 0)) if ngrid == 2 else (lambda b: (0, 0))
    for (W, b) in pairs:
        specs.append(pl.BlockSpec(W.shape, zmap2))
        specs.append(pl.BlockSpec(b.shape, zmap2))
        args.append(W)
        args.append(b)
    return specs, args


def _sa_call(tab, gidx, cpad, layers, ns):
    B, N, C3 = tab.shape
    S = cpad.shape[1]
    cpc = max(1, 2048 // ns)
    Lc = cpc * ns
    chunks = S // cpc
    gflat = gidx.reshape(B, S * ns, 1).astype(jnp.int32)
    Cout = layers[-1][0].shape[1]
    in_specs = [
        pl.BlockSpec((1, N, C3), lambda b, c: (b, 0, 0)),
        pl.BlockSpec((1, Lc, 1), lambda b, c: (b, c, 0)),
        pl.BlockSpec((1, cpc, C3), lambda b, c: (b, c, 0)),
    ]
    wsp, wargs = _wspecs(layers, 2)
    return pl.pallas_call(
        functools.partial(_sa_body, ns, cpc, len(layers)),
        grid=(B, chunks),
        in_specs=in_specs + wsp,
        out_specs=pl.BlockSpec((1, cpc, Cout), lambda b, c: (b, c, 0)),
        out_shape=jax.ShapeDtypeStruct((B, S, Cout), jnp.float32),
    )(tab, gflat, cpad, *wargs)


def _ga_call(grouped, layers):
    B, S, C = grouped.shape
    Cout = layers[-1][0].shape[1]
    wsp, wargs = _wspecs(layers, 1)
    return pl.pallas_call(
        functools.partial(_ga_body, len(layers)),
        grid=(B,),
        in_specs=[pl.BlockSpec((1, S, C), lambda b: (b, 0, 0))] + wsp,
        out_specs=pl.BlockSpec((1, 1, Cout), lambda b: (b, 0, 0)),
        out_shape=jax.ShapeDtypeStruct((B, 1, Cout), jnp.float32),
    )(grouped, *wargs)


def _fp1_call(p1, p2, layers, c1):
    B, S, C1 = p1.shape
    (W1, b1), (W2, b2) = layers
    Wa, Wb = W1[:c1], W1[c1:]
    Cout = W2.shape[1]
    pairs = [(Wa, b1), (Wb, b1), (W2, b2)]
    in_specs = [
        pl.BlockSpec((1, S, C1), lambda b: (b, 0, 0)),
        pl.BlockSpec((1, 1, p2.shape[2]), lambda b: (b, 0, 0)),
        pl.BlockSpec(Wa.shape, lambda b: (0, 0)),
        pl.BlockSpec(Wb.shape, lambda b: (0, 0)),
        pl.BlockSpec(b1.shape, lambda b: (0, 0)),
        pl.BlockSpec(W2.shape, lambda b: (0, 0)),
        pl.BlockSpec(b2.shape, lambda b: (0, 0)),
    ]
    del pairs
    return pl.pallas_call(
        _fp1_body,
        grid=(B,),
        in_specs=in_specs,
        out_specs=pl.BlockSpec((1, S, Cout), lambda b: (b, 0, 0)),
        out_shape=jax.ShapeDtypeStruct((B, S, Cout), jnp.float32),
    )(p1, p2, Wa, Wb, b1, W2, b2)


def _fp_call(x1, x2, p1, p2, layers, c1, head=None):
    B, N1, _ = x1.shape
    S2 = x2.shape[1]
    C1 = p1.shape[2]
    C2 = p2.shape[2]
    (W1, b1), (W2, b2) = layers
    Wa, Wb = W1[:c1], W1[c1:]
    wargs = [Wa, Wb, b1, W2, b2]
    if head is not None:
        wargs += list(head)
        Cout = head[-2].shape[1]
    else:
        Cout = W2.shape[1]
    in_specs = [
        pl.BlockSpec((1, N1, 3), lambda b: (b, 0, 0)),
        pl.BlockSpec((1, S2, 3), lambda b: (b, 0, 0)),
        pl.BlockSpec((1, N1, C1), lambda b: (b, 0, 0)),
        pl.BlockSpec((1, S2, C2), lambda b: (b, 0, 0)),
    ] + [pl.BlockSpec(w.shape, lambda b: (0, 0)) for w in wargs]
    return pl.pallas_call(
        functools.partial(_fp_body, head is not None),
        grid=(B,),
        in_specs=in_specs,
        out_specs=pl.BlockSpec((1, N1, Cout), lambda b: (b, 0, 0)),
        out_shape=jax.ShapeDtypeStruct((B, N1, Cout), jnp.float32),
    )(x1, x2, p1, p2, *wargs)


def kernel(point_cloud, cls_label, params):
    B, _, N = point_cloud.shape
    pts_t = point_cloud.transpose(0, 2, 1)
    xyz_t = pts_t[..., :3]

    fps1 = _fps(xyz_t, 512)
    new_xyz1 = jnp.take_along_axis(xyz_t, fps1[:, :, None], axis=1)
    tab1 = jnp.concatenate([pts_t, xyz_t], axis=-1)
    cpad1 = jnp.concatenate(
        [jnp.zeros((B, 512, 6), jnp.float32), new_xyz1], axis=-1)
    outs = []
    for radius, ns, mlp in zip([0.1, 0.2, 0.4], [32, 64, 128],
                               [_fold(m) for m in params['sa1']]):
        gidx = _query_ball(radius, ns, xyz_t, new_xyz1)
        outs.append(_sa_call(tab1, gidx, cpad1, mlp, ns))
    pts1_t = jnp.concatenate(outs, axis=-1)

    fps2 = _fps(new_xyz1, 128)
    new_xyz2 = jnp.take_along_axis(new_xyz1, fps2[:, :, None], axis=1)
    tab2 = jnp.concatenate([pts1_t, new_xyz1], axis=-1)
    cpad2 = jnp.concatenate(
        [jnp.zeros((B, 128, 320), jnp.float32), new_xyz2], axis=-1)
    outs = []
    for radius, ns, mlp in zip([0.4, 0.8], [64, 128],
                               [_fold(m) for m in params['sa2']]):
        gidx = _query_ball(radius, ns, new_xyz1, new_xyz2)
        outs.append(_sa_call(tab2, gidx, cpad2, mlp, ns))
    pts2_t = jnp.concatenate(outs, axis=-1)

    grouped3 = jnp.concatenate([new_xyz2, pts2_t], axis=-1)
    pts3 = _ga_call(grouped3, _fold(params['sa3']))

    up1 = _fp1_call(pts2_t, pts3, _fold(params['fp1']), 512)

    up2 = _fp_call(new_xyz1, new_xyz2, pts1_t, up1,
                   _fold(params['fp2']), 320)

    label_b = jnp.broadcast_to(cls_label[:, None, :], (B, N, 16))
    co_t = jnp.concatenate([label_b, xyz_t, pts_t], axis=-1)
    Wc1, bc1, gc1, bec1 = params['cls1']
    (Wc1f, bc1f), = _fold([(Wc1, bc1, gc1, bec1)])
    Wc2, bc2 = params['cls2']
    head = (Wc1f, bc1f, Wc2, bc2.reshape(1, -1))
    pred = _fp_call(xyz_t, new_xyz1, co_t, up2,
                    _fold(params['fp3']), 25, head=head)

    return pred, pts3.transpose(0, 2, 1)

# --- scband reference (transcript-rebuilt; emitter-appended) ---
"""Pipeline reference for scband-point-net-plus-plus-part-seg-msg-5549097746745 (READ-ONLY COPY).

The authoritative reference and input builder live on the scoring server;
editing this copy changes nothing except your own understanding.
"""

import jax, jax.numpy as jnp
import numpy as np

BN_EPS = 1e-5

def square_distance(src, dst):
    d = -2.0 * jnp.matmul(src, dst.transpose(0, 2, 1))
    d = d + jnp.sum(src ** 2, -1)[:, :, None]
    d = d + jnp.sum(dst ** 2, -1)[:, None, :]
    return d

def index_points(points, idx):
    return jax.vmap(lambda p, i: p[i])(points, idx)

def farthest_point_sample(xyz, npoint):
    xyz = jax.lax.stop_gradient(xyz)
    B, N, _ = xyz.shape
    def body(i, state):
        centroids, distance, farthest = state
        centroids = centroids.at[:, i].set(farthest)
        centroid = jnp.take_along_axis(xyz, farthest[:, None, None], axis=1)
        dist = jnp.sum((xyz - centroid) ** 2, -1)
        distance = jnp.minimum(distance, dist)
        farthest = jnp.argmax(distance, axis=-1).astype(jnp.int32)
        return (centroids, distance, farthest)
    init = (jnp.zeros((B, npoint), jnp.int32), jnp.full((B, N), 1e10, jnp.float32), jnp.zeros((B,), jnp.int32))
    centroids, _, _ = jax.lax.fori_loop(0, npoint, body, init)
    return centroids

def query_ball_point(radius, nsample, xyz, new_xyz):
    B, N, _ = xyz.shape
    S = new_xyz.shape[1]
    sqr = square_distance(new_xyz, xyz)
    idx = jnp.broadcast_to(jnp.arange(N, dtype=jnp.int32)[None, None, :], (B, S, N))
    idx = jnp.where(sqr > radius ** 2, N, idx)
    idx = jnp.sort(idx, axis=-1)[:, :, :nsample]
    first = jnp.broadcast_to(idx[:, :, :1], idx.shape)
    idx = jnp.where(idx == N, first, idx)
    return idx

def apply_mlp(x, layers):
    for (W, b, g, be) in layers:
        x = x @ W + b
        x = x * (g / np.sqrt(1.0 + BN_EPS)) + be
        x = jax.nn.relu(x)
    return x

def sa_msg(xyz, points, npoint, radius_list, nsample_list, mlps):
    xyz_t = xyz.transpose(0, 2, 1)
    points_t = points.transpose(0, 2, 1)
    fps_idx = farthest_point_sample(xyz_t, npoint)
    new_xyz = index_points(xyz_t, fps_idx)
    outs = []
    for radius, nsample, mlp in zip(radius_list, nsample_list, mlps):
        gidx = query_ball_point(radius, nsample, xyz_t, new_xyz)
        grouped_xyz = index_points(xyz_t, gidx) - new_xyz[:, :, None, :]
        grouped_pts = index_points(points_t, gidx)
        grouped = jnp.concatenate([grouped_pts, grouped_xyz], axis=-1)
        feat = apply_mlp(grouped, mlp)
        outs.append(jnp.max(feat, axis=2))
    new_points = jnp.concatenate(outs, axis=-1)
    return new_xyz.transpose(0, 2, 1), new_points.transpose(0, 2, 1)

def sa_group_all(xyz, points, mlp):
    xyz_t = xyz.transpose(0, 2, 1)
    points_t = points.transpose(0, 2, 1)
    grouped = jnp.concatenate([xyz_t, points_t], axis=-1)[:, None, :, :]
    feat = apply_mlp(grouped, mlp)
    new_points = jnp.max(feat, axis=2)
    new_xyz = jnp.zeros((xyz.shape[0], 3, 1), jnp.float32)
    return new_xyz, new_points.transpose(0, 2, 1)

def feature_propagation(xyz1, xyz2, points1, points2, mlp):
    xyz1_t = xyz1.transpose(0, 2, 1)
    xyz2_t = xyz2.transpose(0, 2, 1)
    points2_t = points2.transpose(0, 2, 1)
    B, N, _ = xyz1_t.shape
    S = xyz2_t.shape[1]
    if S == 1:
        interpolated = jnp.broadcast_to(points2_t, (B, N, points2_t.shape[-1]))
    else:
        dists = square_distance(xyz1_t, xyz2_t)
        negv, idx = jax.lax.top_k(-dists, 3)
        d = -negv
        recip = 1.0 / (d + 1e-8)
        w = recip / jnp.sum(recip, axis=2, keepdims=True)
        interpolated = jnp.sum(index_points(points2_t, idx) * w[..., None], axis=2)
    points1_t = points1.transpose(0, 2, 1)
    new_points = jnp.concatenate([points1_t, interpolated], axis=-1)
    new_points = apply_mlp(new_points, mlp)
    return new_points.transpose(0, 2, 1)

def model_forward(point_cloud, cls_label, params):
    B, _, N = point_cloud.shape
    norm_feature = point_cloud
    xyz = point_cloud[:, :3, :]
    xyz1, pts1 = sa_msg(xyz, norm_feature, 512, [0.1, 0.2, 0.4], [32, 64, 128], params['sa1'])
    xyz2, pts2 = sa_msg(xyz1, pts1, 128, [0.4, 0.8], [64, 128], params['sa2'])
    xyz3, pts3 = sa_group_all(xyz2, pts2, params['sa3'])
    up1 = feature_propagation(xyz2, xyz3, pts2, pts3, params['fp1'])
    up2 = feature_propagation(xyz1, xyz2, pts1, up1, params['fp2'])
    label = jnp.broadcast_to(cls_label[:, :, None], (B, 16, N))
    co = jnp.concatenate([label, xyz, norm_feature], axis=1)
    up3 = feature_propagation(xyz, xyz1, co, up2, params['fp3'])
    x = up3.transpose(0, 2, 1)
    W, b, g, be = params['cls1']
    x = jax.nn.relu((x @ W + b) * (g / np.sqrt(1.0 + BN_EPS)) + be)
    W2, b2 = params['cls2']
    x = x @ W2 + b2
    logits = x.transpose(0, 2, 1)
    pred = jax.nn.log_softmax(logits, axis=1).transpose(0, 2, 1)
    return pred, pts3

def make_mlp(key, chans):
    layers = []
    for i in range(len(chans) - 1):
        k = jax.random.fold_in(key, i)
        W = jax.random.normal(k, (chans[i], chans[i + 1]), dtype=jnp.float32) * 0.02
        layers.append((W, jnp.zeros((chans[i + 1],), jnp.float32), jnp.ones((chans[i + 1],), jnp.float32), jnp.zeros((chans[i + 1],), jnp.float32)))
    return layers

def setup_inputs(seed: int = 0):
    key = jax.random.key(seed)
    k_pc, k_cl, k_p = jax.random.split(key, 3)
    point_cloud = jax.random.uniform(k_pc, (4, 6, 2048), dtype=jnp.float32)
    cls_label = jax.random.uniform(k_cl, (4, 16), dtype=jnp.float32)
    ks = [jax.random.fold_in(k_p, i) for i in range(11)]
    params = {
        'sa1': [make_mlp(ks[0], [9, 32, 32, 64]), make_mlp(ks[1], [9, 64, 64, 128]), make_mlp(ks[2], [9, 64, 96, 128])],
        'sa2': [make_mlp(ks[3], [323, 128, 128, 256]), make_mlp(ks[4], [323, 128, 196, 256])],
        'sa3': make_mlp(ks[5], [515, 256, 512, 1024]),
        'fp1': make_mlp(ks[6], [1536, 256, 256]),
        'fp2': make_mlp(ks[7], [576, 256, 128]),
        'fp3': make_mlp(ks[8], [153, 128, 128]),
        'cls1': (jax.random.normal(ks[9], (128, 128), jnp.float32) * 0.02, jnp.zeros((128,), jnp.float32), jnp.ones((128,), jnp.float32), jnp.zeros((128,), jnp.float32)),
        'cls2': (jax.random.normal(ks[10], (128, 50), jnp.float32) * 0.02, jnp.zeros((50,), jnp.float32)),
    }
    return {'point_cloud': point_cloud, 'cls_label': cls_label, 'params': params}

def reference(point_cloud, cls_label, params):
    return model_forward(point_cloud, cls_label, params)

if __name__ == "__main__":
    import jax
    _d = setup_inputs()
    print(jax.jit(kernel)(*tuple(_d.values())))

</pallas_src>

<mosaic_0001>
module attributes {stable_mosaic.version = 14 : i64} {
  func.func @_sa_body(%arg0: i32, %arg1: i32, %arg2: memref<1x2048x9xf32, #tpu.memory_space<vmem>>, %arg3: memref<1x2048x1xi32, #tpu.memory_space<vmem>>, %arg4: memref<1x32x9xf32, #tpu.memory_space<vmem>>, %arg5: memref<9x64xf32, #tpu.memory_space<vmem>>, %arg6: memref<1x64xf32, #tpu.memory_space<vmem>>, %arg7: memref<64x64xf32, #tpu.memory_space<vmem>>, %arg8: memref<1x64xf32, #tpu.memory_space<vmem>>, %arg9: memref<64x128xf32, #tpu.memory_space<vmem>>, %arg10: memref<1x128xf32, #tpu.memory_space<vmem>>, %arg11: memref<1x32x128xf32, #tpu.memory_space<vmem>>) attributes {dimension_semantics = [#tpu.dimension_semantics<arbitrary>, #tpu.dimension_semantics<arbitrary>], iteration_bounds = array<i64: 4, 16>, scalar_prefetch = 0 : i64, scratch_operands = 0 : i64, tpu.core_type = #tpu.core_type<tc>, window_params = [{transform_indices = @transform_0, window_bounds = array<i64: 1, 2048, 9>}, {transform_indices = @transform_1, window_bounds = array<i64: 1, 2048, 1>}, {transform_indices = @transform_2, window_bounds = array<i64: 1, 32, 9>}, {pipeline_mode = #tpu.pipeline_mode<synchronous>, transform_indices = @transform_3, window_bounds = array<i64: 9, 64>}, {pipeline_mode = #tpu.pipeline_mode<synchronous>, transform_indices = @transform_4, window_bounds = array<i64: 1, 64>}, {pipeline_mode = #tpu.pipeline_mode<synchronous>, transform_indices = @transform_5, window_bounds = array<i64: 64, 64>}, {pipeline_mode = #tpu.pipeline_mode<synchronous>, transform_indices = @transform_6, window_bounds = array<i64: 1, 64>}, {pipeline_mode = #tpu.pipeline_mode<synchronous>, transform_indices = @transform_7, window_bounds = array<i64: 64, 128>}, {pipeline_mode = #tpu.pipeline_mode<synchronous>, transform_indices = @transform_8, window_bounds = array<i64: 1, 128>}, {transform_indices = @transform_9, window_bounds = array<i64: 1, 32, 128>}]} {
    %get3A = arith.constant 0 : index
    %get3A_0 = arith.constant 0 : index
    %get3A_1 = arith.constant 0 : index
    %get3A_2 = vector.load %arg2[%get3A, %get3A_0, %get3A_1] : memref<1x2048x9xf32, #tpu.memory_space<vmem>>, vector<1x2048x9xf32>
    %get3A_3 = vector.shape_cast %get3A_2 : vector<1x2048x9xf32> to vector<2048x9xf32>
    %get3A_4 = arith.constant 0 : index
    %get3A_5 = arith.constant 0 : index
    %get3A_6 = arith.constant 0 : index
    %get3A_7 = vector.load %arg3[%get3A_4, %get3A_5, %get3A_6] : memref<1x2048x1xi32, #tpu.memory_space<vmem>>, vector<1x2048x1xi32>
    %get3A_8 = vector.shape_cast %get3A_7 : vector<1x2048x1xi32> to vector<2048x1xi32>
    %get3A_9 = arith.constant 0 : index
    %get3A_10 = arith.constant 0 : index
    %get3A_11 = arith.constant 0 : index
    %get3A_12 = vector.load %arg4[%get3A_9, %get3A_10, %get3A_11] : memref<1x32x9xf32, #tpu.memory_space<vmem>>, vector<1x32x9xf32>
    %get3A_13 = vector.shape_cast %get3A_12 : vector<1x32x9xf32> to vector<32x9xf32>
    %iota3A = tpu.iota {dimensions = array<i32: 1>} : vector<2048x2048xi32>
    %eq3A = vector.broadcast %get3A_8 : vector<2048x1xi32> to vector<2048x2048xi32>
    %eq3A_14 = arith.cmpi eq, %iota3A, %eq3A : vector<2048x2048xi32>
    %convert_element_type3A = arith.extui %eq3A_14 : vector<2048x2048xi1> to vector<2048x2048xi32>
    %convert_element_type3A_15 = arith.sitofp %convert_element_type3A : vector<2048x2048xi32> to vector<2048x2048xf32>
    %dot_general3A = arith.constant dense<0.000000e+00> : vector<2048x9xf32>
    %dot_general3A_16 = tpu.matmul %convert_element_type3A_15, %get3A_3, %dot_general3A {dimension_numbers = #tpu.dot_dimension_numbers<[1], [0], [0], [1], [0, 0, 1, 1], [], []>, transpose_lhs_hint = false} : vector<2048x2048xf32>, vector<2048x9xf32>, vector<2048x9xf32> -> vector<2048x9xf32>
    %iota3A_17 = tpu.iota {dimensions = array<i32: 0>} : vector<2048x32xi32>
    %jit3A = arith.constant 64 : i32
    %div3A = vector.broadcast %jit3A : i32 to vector<2048x32xi32>
    %div3A_18 = arith.divsi %iota3A_17, %div3A : vector<2048x32xi32>
    %sign3A = arith.constant 0 : i32
    %sign3A_19 = vector.broadcast %sign3A : i32 to vector<2048x32xi32>
    %sign3A_20 = arith.cmpi sgt, %iota3A_17, %sign3A_19 : vector<2048x32xi32>
    %sign3A_21 = arith.extui %sign3A_20 : vector<2048x32xi1> to vector<2048x32xi32>
    %sign3A_22 = arith.constant 0 : i32
    %sign3A_23 = vector.broadcast %sign3A_22 : i32 to vector<2048x32xi32>
    %sign3A_24 = arith.cmpi slt, %iota3A_17, %sign3A_23 : vector<2048x32xi32>
    %sign3A_25 = arith.extui %sign3A_24 : vector<2048x32xi1> to vector<2048x32xi32>
    %sign3A_26 = arith.subi %sign3A_21, %sign3A_25 : vector<2048x32xi32>
    %sign3A_27 = arith.constant 0 : i32
    %sign3A_28 = arith.cmpi sgt, %jit3A, %sign3A_27 : i32
    %sign3A_29 = arith.extui %sign3A_28 : i1 to i32
    %sign3A_30 = arith.constant 0 : i32
    %sign3A_31 = arith.cmpi slt, %jit3A, %sign3A_30 : i32
    %sign3A_32 = arith.extui %sign3A_31 : i1 to i32
    %sign3A_33 = arith.subi %sign3A_29, %sign3A_32 : i32
    %ne3A = vector.broadcast %sign3A_33 : i32 to vector<2048x32xi32>
    %ne3A_34 = arith.cmpi ne, %sign3A_26, %ne3A : vector<2048x32xi32>
    %rem3A = vector.broadcast %jit3A : i32 to vector<2048x32xi32>
    %rem3A_35 = arith.remsi %iota3A_17, %rem3A : vector<2048x32xi32>
    %ne3A_36 = arith.constant 0 : i32
    %ne3A_37 = vector.broadcast %ne3A_36 : i32 to vector<2048x32xi32>
    %ne3A_38 = arith.cmpi ne, %rem3A_35, %ne3A_37 : vector<2048x32xi32>
    %and3A = arith.andi %ne3A_34, %ne3A_38 : vector<2048x32xi1>
    %sub3A = arith.constant 1 : i32
    %sub3A_39 = vector.broadcast %sub3A : i32 to vector<2048x32xi32>
    %sub3A_40 = arith.subi %div3A_18, %sub3A_39 : vector<2048x32xi32>
    %select_n3A = arith.select %and3A, %sub3A_40, %div3A_18 : vector<2048x32xi1>, vector<2048x32xi32>
    %iota3A_41 = tpu.iota {dimensions = array<i32: 1>} : vector<2048x32xi32>
    %eq3A_42 = arith.cmpi eq, %select_n3A, %iota3A_41 : vector<2048x32xi32>
    %convert_element_type3A_43 = arith.extui %eq3A_42 : vector<2048x32xi1> to vector<2048x32xi32>
    %convert_element_type3A_44 = arith.sitofp %convert_element_type3A_43 : vector<2048x32xi32> to vector<2048x32xf32>
    %dot_general3A_45 = arith.constant dense<0.000000e+00> : vector<2048x9xf32>
    %dot_general3A_46 = tpu.matmul %convert_element_type3A_44, %get3A_13, %dot_general3A_45 {dimension_numbers = #tpu.dot_dimension_numbers<[1], [0], [0], [1], [0, 0, 1, 1], [], []>, transpose_lhs_hint = false} : vector<2048x32xf32>, vector<32x9xf32>, vector<2048x9xf32> -> vector<2048x9xf32>
    %sub3A_47 = arith.subf %dot_general3A_16, %dot_general3A_46 : vector<2048x9xf32>
    %get3A_48 = arith.constant 0 : index
    %get3A_49 = arith.constant 0 : index
    %get3A_50 = vector.load %arg5[%get3A_48, %get3A_49] : memref<9x64xf32, #tpu.memory_space<vmem>>, vector<9x64xf32>
    %get3A_51 = arith.constant 0 : index
    %get3A_52 = arith.constant 0 : index
    %get3A_53 = vector.load %arg6[%get3A_51, %get3A_52] : memref<1x64xf32, #tpu.memory_space<vmem>>, vector<1x64xf32>
    %dot_general3A_54 = arith.constant dense<0.000000e+00> : vector<2048x64xf32>
    %dot_general3A_55 = tpu.matmul %sub3A_47, %get3A_50, %dot_general3A_54 {dimension_numbers = #tpu.dot_dimension_numbers<[1], [0], [0], [1], [0, 0, 1, 1], [], []>, transpose_lhs_hint = false} : vector<2048x9xf32>, vector<9x64xf32>, vector<2048x64xf32> -> vector<2048x64xf32>
    %add3A = vector.broadcast %get3A_53 : vector<1x64xf32> to vector<2048x64xf32>
    %add3A_56 = arith.addf %dot_general3A_55, %add3A : vector<2048x64xf32>
    %max3A = arith.constant 0.000000e+00 : f32
    %max3A_57 = vector.broadcast %max3A : f32 to vector<2048x64xf32>
    %max3A_58 = arith.maximumf %add3A_56, %max3A_57 : vector<2048x64xf32>
    %get3A_59 = arith.constant 0 : index
    %get3A_60 = arith.constant 0 : index
    %get3A_61 = vector.load %arg7[%get3A_59, %get3A_60] : memref<64x64xf32, #tpu.memory_space<vmem>>, vector<64x64xf32>
    %get3A_62 = arith.constant 0 : index
    %get3A_63 = arith.constant 0 : index
    %get3A_64 = vector.load %arg8[%get3A_62, %get3A_63] : memref<1x64xf32, #tpu.memory_space<vmem>>, vector<1x64xf32>
    %dot_general3A_65 = arith.constant dense<0.000000e+00> : vector<2048x64xf32>
    %dot_general3A_66 = tpu.matmul %max3A_58, %get3A_61, %dot_general3A_65 {dimension_numbers = #tpu.dot_dimension_numbers<[1], [0], [0], [1], [0, 0, 1, 1], [], []>, transpose_lhs_hint = false} : vector<2048x64xf32>, vector<64x64xf32>, vector<2048x64xf32> -> vector<2048x64xf32>
    %add3A_67 = vector.broadcast %get3A_64 : vector<1x64xf32> to vector<2048x64xf32>
    %add3A_68 = arith.addf %dot_general3A_66, %add3A_67 : vector<2048x64xf32>
    %max3A_69 = arith.constant 0.000000e+00 : f32
    %max3A_70 = vector.broadcast %max3A_69 : f32 to vector<2048x64xf32>
    %max3A_71 = arith.maximumf %add3A_68, %max3A_70 : vector<2048x64xf32>
    %get3A_72 = arith.constant 0 : index
    %get3A_73 = arith.constant 0 : index
    %get3A_74 = vector.load %arg9[%get3A_72, %get3A_73] : memref<64x128xf32, #tpu.memory_space<vmem>>, vector<64x128xf32>
    %get3A_75 = arith.constant 0 : index
    %get3A_76 = arith.constant 0 : index
    %get3A_77 = vector.load %arg10[%get3A_75, %get3A_76] : memref<1x128xf32, #tpu.memory_space<vmem>>, vector<1x128xf32>
    %dot_general3A_78 = arith.constant dense<0.000000e+00> : vector<2048x128xf32>
    %dot_general3A_79 = tpu.matmul %max3A_71, %get3A_74, %dot_general3A_78 {dimension_numbers = #tpu.dot_dimension_numbers<[1], [0], [0], [1], [0, 0, 1, 1], [], []>, transpose_lhs_hint = false} : vector<2048x64xf32>, vector<64x128xf32>, vector<2048x128xf32> -> vector<2048x128xf32>
    %add3A_80 = vector.broadcast %get3A_77 : vector<1x128xf32> to vector<2048x128xf32>
    %add3A_81 = arith.addf %dot_general3A_79, %add3A_80 : vector<2048x128xf32>
    %max3A_82 = arith.constant 0.000000e+00 : f32
    %max3A_83 = vector.broadcast %max3A_82 : f32 to vector<2048x128xf32>
    %max3A_84 = arith.maximumf %add3A_81, %max3A_83 : vector<2048x128xf32>
    %reshape3A = vector.shape_cast %max3A_84 : vector<2048x128xf32> to vector<32x64x128xf32>
    %reduce_max3A = arith.constant dense<0xFF800000> : vector<32x128xf32>
    %reduce_max3A_85 = vector.multi_reduction <maximumf>, %reshape3A, %reduce_max3A [1] : vector<32x64x128xf32> to vector<32x128xf32>
    %swap3A = arith.constant 0 : index
    %swap3A_86 = arith.constant 0 : index
    %swap3A_87 = arith.constant 0 : index
    %swap3A_88 = vector.load %arg11[%swap3A, %swap3A_86, %swap3A_87] : memref<1x32x128xf32, #tpu.memory_space<vmem>>, vector<1x32x128xf32>
    %swap3A_89 = vector.shape_cast %swap3A_88 : vector<1x32x128xf32> to vector<32x128xf32>
    %swap3A_90 = vector.shape_cast %reduce_max3A_85 : vector<32x128xf32> to vector<1x32x128xf32>
    tpu.vector_store %arg11[%swap3A, %swap3A_86, %swap3A_87], %swap3A_90 {strides = array<i32>} : memref<1x32x128xf32, #tpu.memory_space<vmem>>, vector<1x32x128xf32>,
    return
  }
  func.func @transform_0(%arg0: i32, %arg1: i32) -> (i32, i32, i32) {
    %c0_i32 = arith.constant 0 : i32
    %c0_i32_0 = arith.constant 0 : i32
    %c0_i32_1 = arith.constant 0 : i32
    return %arg0, %c0_i32, %c0_i32_0 : i32, i32, i32
  }
  func.func @transform_1(%arg0: i32, %arg1: i32) -> (i32, i32, i32) {
    %c0_i32 = arith.constant 0 : i32
    %c0_i32_0 = arith.constant 0 : i32
    return %arg0, %arg1, %c0_i32 : i32, i32, i32
  }
  func.func @transform_2(%arg0: i32, %arg1: i32) -> (i32, i32, i32) {
    %c0_i32 = arith.constant 0 : i32
    %c0_i32_0 = arith.constant 0 : i32
    return %arg0, %arg1, %c0_i32 : i32, i32, i32
  }
  func.func @transform_3(%arg0: i32, %arg1: i32) -> (i32, i32) {
    %c0_i32 = arith.constant 0 : i32
    %c0_i32_0 = arith.constant 0 : i32
    %c0_i32_1 = arith.constant 0 : i32
    return %c0_i32, %c0_i32_0 : i32, i32
  }
  func.func @transform_4(%arg0: i32, %arg1: i32) -> (i32, i32) {
    %c0_i32 = arith.constant 0 : i32
    %c0_i32_0 = arith.constant 0 : i32
    %c0_i32_1 = arith.constant 0 : i32
    return %c0_i32, %c0_i32_0 : i32, i32
  }
  func.func @transform_5(%arg0: i32, %arg1: i32) -> (i32, i32) {
    %c0_i32 = arith.constant 0 : i32
    %c0_i32_0 = arith.constant 0 : i32
    %c0_i32_1 = arith.constant 0 : i32
    return %c0_i32, %c0_i32_0 : i32, i32
  }
  func.func @transform_6(%arg0: i32, %arg1: i32) -> (i32, i32) {
    %c0_i32 = arith.constant 0 : i32
    %c0_i32_0 = arith.constant 0 : i32
    %c0_i32_1 = arith.constant 0 : i32
    return %c0_i32, %c0_i32_0 : i32, i32
  }
  func.func @transform_7(%arg0: i32, %arg1: i32) -> (i32, i32) {
    %c0_i32 = arith.constant 0 : i32
    %c0_i32_0 = arith.constant 0 : i32
    %c0_i32_1 = arith.constant 0 : i32
    return %c0_i32, %c0_i32_0 : i32, i32
  }
  func.func @transform_8(%arg0: i32, %arg1: i32) -> (i32, i32) {
    %c0_i32 = arith.constant 0 : i32
    %c0_i32_0 = arith.constant 0 : i32
    %c0_i32_1 = arith.constant 0 : i32
    return %c0_i32, %c0_i32_0 : i32, i32
  }
  func.func @transform_9(%arg0: i32, %arg1: i32) -> (i32, i32, i32) {
    %c0_i32 = arith.constant 0 : i32
    %c0_i32_0 = arith.constant 0 : i32
    return %arg0, %arg1, %c0_i32 : i32, i32, i32
  }
}

module attributes {stable_mosaic.version = 14 : i64} {
  func.func @_sa_body(%arg0: i32, %arg1: i32, %arg2: memref<1x2048x9xf32, #tpu.memory_space<vmem>>, %arg3: memref<1x2048x1xi32, #tpu.memory_space<vmem>>, %arg4: memref<1x64x9xf32, #tpu.memory_space<vmem>>, %arg5: memref<9x32xf32, #tpu.memory_space<vmem>>, %arg6: memref<1x32xf32, #tpu.memory_space<vmem>>, %arg7: memref<32x32xf32, #tpu.memory_space<vmem>>, %arg8: memref<1x32xf32, #tpu.memory_space<vmem>>, %arg9: memref<32x64xf32, #tpu.memory_space<vmem>>, %arg10: memref<1x64xf32, #tpu.memory_space<vmem>>, %arg11: memref<1x64x64xf32, #tpu.memory_space<vmem>>) attributes {dimension_semantics = [#tpu.dimension_semantics<arbitrary>, #tpu.dimension_semantics<arbitrary>], iteration_bounds = array<i64: 4, 8>, scalar_prefetch = 0 : i64, scratch_operands = 0 : i64, tpu.core_type = #tpu.core_type<tc>, window_params = [{transform_indices = @transform_0, window_bounds = array<i64: 1, 2048, 9>}, {transform_indices = @transform_1, window_bounds = array<i64: 1, 2048, 1>}, {transform_indices = @transform_2, window_bounds = array<i64: 1, 64, 9>}, {pipeline_mode = #tpu.pipeline_mode<synchronous>, transform_indices = @transform_3, window_bounds = array<i64: 9, 32>}, {pipeline_mode = #tpu.pipeline_mode<synchronous>, transform_indices = @transform_4, window_bounds = array<i64: 1, 32>}, {pipeline_mode = #tpu.pipeline_mode<synchronous>, transform_indices = @transform_5, window_bounds = array<i64: 32, 32>}, {pipeline_mode = #tpu.pipeline_mode<synchronous>, transform_indices = @transform_6, window_bounds = array<i64: 1, 32>}, {pipeline_mode = #tpu.pipeline_mode<synchronous>, transform_indices = @transform_7, window_bounds = array<i64: 32, 64>}, {pipeline_mode = #tpu.pipeline_mode<synchronous>, transform_indices = @transform_8, window_bounds = array<i64: 1, 64>}, {transform_indices = @transform_9, window_bounds = array<i64: 1, 64, 64>}]} {
    %get3A = arith.constant 0 : index
    %get3A_0 = arith.constant 0 : index
    %get3A_1 = arith.constant 0 : index
    %get3A_2 = vector.load %arg2[%get3A, %get3A_0, %get3A_1] : memref<1x2048x9xf32, #tpu.memory_space<vmem>>, vector<1x2048x9xf32>
    %get3A_3 = vector.shape_cast %get3A_2 : vector<1x2048x9xf32> to vector<2048x9xf32>
    %get3A_4 = arith.constant 0 : index
    %get3A_5 = arith.constant 0 : index
    %get3A_6 = arith.constant 0 : index
    %get3A_7 = vector.load %arg3[%get3A_4, %get3A_5, %get3A_6] : memref<1x2048x1xi32, #tpu.memory_space<vmem>>, vector<1x2048x1xi32>
    %get3A_8 = vector.shape_cast %get3A_7 : vector<1x2048x1xi32> to vector<2048x1xi32>
    %get3A_9 = arith.constant 0 : index
    %get3A_10 = arith.constant 0 : index
    %get3A_11 = arith.constant 0 : index
    %get3A_12 = vector.load %arg4[%get3A_9, %get3A_10, %get3A_11] : memref<1x64x9xf32, #tpu.memory_space<vmem>>, vector<1x64x9xf32>
    %get3A_13 = vector.shape_cast %get3A_12 : vector<1x64x9xf32> to vector<64x9xf32>
    %iota3A = tpu.iota {dimensions = array<i32: 1>} : vector<2048x2048xi32>
    %eq3A = vector.broadcast %get3A_8 : vector<2048x1xi32> to vector<2048x2048xi32>
    %eq3A_14 = arith.cmpi eq, %iota3A, %eq3A : vector<2048x2048xi32>
    %convert_element_type3A = arith.extui %eq3A_14 : vector<2048x2048xi1> to vector<2048x2048xi32>
    %convert_element_type3A_15 = arith.sitofp %convert_element_type3A : vector<2048x2048xi32> to vector<2048x2048xf32>
    %dot_general3A = arith.constant dense<0.000000e+00> : vector<2048x9xf32>
    %dot_general3A_16 = tpu.matmul %convert_element_type3A_15, %get3A_3, %dot_general3A {dimension_numbers = #tpu.dot_dimension_numbers<[1], [0], [0], [1], [0, 0, 1, 1], [], []>, transpose_lhs_hint = false} : vector<2048x2048xf32>, vector<2048x9xf32>, vector<2048x9xf32> -> vector<2048x9xf32>
    %iota3A_17 = tpu.iota {dimensions = array<i32: 0>} : vector<2048x64xi32>
    %jit3A = arith.constant 32 : i32
    %div3A = vector.broadcast %jit3A : i32 to vector<2048x64xi32>
    %div3A_18 = arith.divsi %iota3A_17, %div3A : vector<2048x64xi32>
    %sign3A = arith.constant 0 : i32
    %sign3A_19 = vector.broadcast %sign3A : i32 to vector<2048x64xi32>
    %sign3A_20 = arith.cmpi sgt, %iota3A_17, %sign3A_19 : vector<2048x64xi32>
    %sign3A_21 = arith.extui %sign3A_20 : vector<2048x64xi1> to vector<2048x64xi32>
    %sign3A_22 = arith.constant 0 : i32
    %sign3A_23 = vector.broadcast %sign3A_22 : i32 to vector<2048x64xi32>
    %sign3A_24 = arith.cmpi slt, %iota3A_17, %sign3A_23 : vector<2048x64xi32>
    %sign3A_25 = arith.extui %sign3A_24 : vector<2048x64xi1> to vector<2048x64xi32>
    %sign3A_26 = arith.subi %sign3A_21, %sign3A_25 : vector<2048x64xi32>
    %sign3A_27 = arith.constant 0 : i32
    %sign3A_28 = arith.cmpi sgt, %jit3A, %sign3A_27 : i32
    %sign3A_29 = arith.extui %sign3A_28 : i1 to i32
    %sign3A_30 = arith.constant 0 : i32
    %sign3A_31 = arith.cmpi slt, %jit3A, %sign3A_30 : i32
    %sign3A_32 = arith.extui %sign3A_31 : i1 to i32
    %sign3A_33 = arith.subi %sign3A_29, %sign3A_32 : i32
    %ne3A = vector.broadcast %sign3A_33 : i32 to vector<2048x64xi32>
    %ne3A_34 = arith.cmpi ne, %sign3A_26, %ne3A : vector<2048x64xi32>
    %rem3A = vector.broadcast %jit3A : i32 to vector<2048x64xi32>
    %rem3A_35 = arith.remsi %iota3A_17, %rem3A : vector<2048x64xi32>
    %ne3A_36 = arith.constant 0 : i32
    %ne3A_37 = vector.broadcast %ne3A_36 : i32 to vector<2048x64xi32>
    %ne3A_38 = arith.cmpi ne, %rem3A_35, %ne3A_37 : vector<2048x64xi32>
    %and3A = arith.andi %ne3A_34, %ne3A_38 : vector<2048x64xi1>
    %sub3A = arith.constant 1 : i32
    %sub3A_39 = vector.broadcast %sub3A : i32 to vector<2048x64xi32>
    %sub3A_40 = arith.subi %div3A_18, %sub3A_39 : vector<2048x64xi32>
    %select_n3A = arith.select %and3A, %sub3A_40, %div3A_18 : vector<2048x64xi1>, vector<2048x64xi32>
    %iota3A_41 = tpu.iota {dimensions = array<i32: 1>} : vector<2048x64xi32>
    %eq3A_42 = arith.cmpi eq, %select_n3A, %iota3A_41 : vector<2048x64xi32>
    %convert_element_type3A_43 = arith.extui %eq3A_42 : vector<2048x64xi1> to vector<2048x64xi32>
    %convert_element_type3A_44 = arith.sitofp %convert_element_type3A_43 : vector<2048x64xi32> to vector<2048x64xf32>
    %dot_general3A_45 = arith.constant dense<0.000000e+00> : vector<2048x9xf32>
    %dot_general3A_46 = tpu.matmul %convert_element_type3A_44, %get3A_13, %dot_general3A_45 {dimension_numbers = #tpu.dot_dimension_numbers<[1], [0], [0], [1], [0, 0, 1, 1], [], []>, transpose_lhs_hint = false} : vector<2048x64xf32>, vector<64x9xf32>, vector<2048x9xf32> -> vector<2048x9xf32>
    %sub3A_47 = arith.subf %dot_general3A_16, %dot_general3A_46 : vector<2048x9xf32>
    %get3A_48 = arith.constant 0 : index
    %get3A_49 = arith.constant 0 : index
    %get3A_50 = vector.load %arg5[%get3A_48, %get3A_49] : memref<9x32xf32, #tpu.memory_space<vmem>>, vector<9x32xf32>
    %get3A_51 = arith.constant 0 : index
    %get3A_52 = arith.constant 0 : index
    %get3A_53 = vector.load %arg6[%get3A_51, %get3A_52] : memref<1x32xf32, #tpu.memory_space<vmem>>, vector<1x32xf32>
    %dot_general3A_54 = arith.constant dense<0.000000e+00> : vector<2048x32xf32>
    %dot_general3A_55 = tpu.matmul %sub3A_47, %get3A_50, %dot_general3A_54 {dimension_numbers = #tpu.dot_dimension_numbers<[1], [0], [0], [1], [0, 0, 1, 1], [], []>, transpose_lhs_hint = false} : vector<2048x9xf32>, vector<9x32xf32>, vector<2048x32xf32> -> vector<2048x32xf32>
    %add3A = vector.broadcast %get3A_53 : vector<1x32xf32> to vector<2048x32xf32>
    %add3A_56 = arith.addf %dot_general3A_55, %add3A : vector<2048x32xf32>
    %max3A = arith.constant 0.000000e+00 : f32
    %max3A_57 = vector.broadcast %max3A : f32 to vector<2048x32xf32>
    %max3A_58 = arith.maximumf %add3A_56, %max3A_57 : vector<2048x32xf32>
    %get3A_59 = arith.constant 0 : index
    %get3A_60 = arith.constant 0 : index
    %get3A_61 = vector.load %arg7[%get3A_59, %get3A_60] : memref<32x32xf32, #tpu.memory_space<vmem>>, vector<32x32xf32>
    %get3A_62 = arith.constant 0 : index
    %get3A_63 = arith.constant 0 : index
    %get3A_64 = vector.load %arg8[%get3A_62, %get3A_63] : memref<1x32xf32, #tpu.memory_space<vmem>>, vector<1x32xf32>
    %dot_general3A_65 = arith.constant dense<0.000000e+00> : vector<2048x32xf32>
    %dot_general3A_66 = tpu.matmul %max3A_58, %get3A_61, %dot_general3A_65 {dimension_numbers = #tpu.dot_dimension_numbers<[1], [0], [0], [1], [0, 0, 1, 1], [], []>, transpose_lhs_hint = false} : vector<2048x32xf32>, vector<32x32xf32>, vector<2048x32xf32> -> vector<2048x32xf32>
    %add3A_67 = vector.broadcast %get3A_64 : vector<1x32xf32> to vector<2048x32xf32>
    %add3A_68 = arith.addf %dot_general3A_66, %add3A_67 : vector<2048x32xf32>
    %max3A_69 = arith.constant 0.000000e+00 : f32
    %max3A_70 = vector.broadcast %max3A_69 : f32 to vector<2048x32xf32>
    %max3A_71 = arith.maximumf %add3A_68, %max3A_70 : vector<2048x32xf32>
    %get3A_72 = arith.constant 0 : index
    %get3A_73 = arith.constant 0 : index
    %get3A_74 = vector.load %arg9[%get3A_72, %get3A_73] : memref<32x64xf32, #tpu.memory_space<vmem>>, vector<32x64xf32>
    %get3A_75 = arith.constant 0 : index
    %get3A_76 = arith.constant 0 : index
    %get3A_77 = vector.load %arg10[%get3A_75, %get3A_76] : memref<1x64xf32, #tpu.memory_space<vmem>>, vector<1x64xf32>
    %dot_general3A_78 = arith.constant dense<0.000000e+00> : vector<2048x64xf32>
    %dot_general3A_79 = tpu.matmul %max3A_71, %get3A_74, %dot_general3A_78 {dimension_numbers = #tpu.dot_dimension_numbers<[1], [0], [0], [1], [0, 0, 1, 1], [], []>, transpose_lhs_hint = false} : vector<2048x32xf32>, vector<32x64xf32>, vector<2048x64xf32> -> vector<2048x64xf32>
    %add3A_80 = vector.broadcast %get3A_77 : vector<1x64xf32> to vector<2048x64xf32>
    %add3A_81 = arith.addf %dot_general3A_79, %add3A_80 : vector<2048x64xf32>
    %max3A_82 = arith.constant 0.000000e+00 : f32
    %max3A_83 = vector.broadcast %max3A_82 : f32 to vector<2048x64xf32>
    %max3A_84 = arith.maximumf %add3A_81, %max3A_83 : vector<2048x64xf32>
    %reshape3A = vector.shape_cast %max3A_84 : vector<2048x64xf32> to vector<64x32x64xf32>
    %reduce_max3A = arith.constant dense<0xFF800000> : vector<64x64xf32>
    %reduce_max3A_85 = vector.multi_reduction <maximumf>, %reshape3A, %reduce_max3A [1] : vector<64x32x64xf32> to vector<64x64xf32>
    %swap3A = arith.constant 0 : index
    %swap3A_86 = arith.constant 0 : index
    %swap3A_87 = arith.constant 0 : index
    %swap3A_88 = vector.load %arg11[%swap3A, %swap3A_86, %swap3A_87] : memref<1x64x64xf32, #tpu.memory_space<vmem>>, vector<1x64x64xf32>
    %swap3A_89 = vector.shape_cast %swap3A_88 : vector<1x64x64xf32> to vector<64x64xf32>
    %swap3A_90 = vector.shape_cast %reduce_max3A_85 : vector<64x64xf32> to vector<1x64x64xf32>
    tpu.vector_store %arg11[%swap3A, %swap3A_86, %swap3A_87], %swap3A_90 {strides = array<i32>} : memref<1x64x64xf32, #tpu.memory_space<vmem>>, vector<1x64x64xf32>,
    return
  }
  func.func @transform_0(%arg0: i32, %arg1: i32) -> (i32, i32, i32) {
    %c0_i32 = arith.constant 0 : i32
    %c0_i32_0 = arith.constant 0 : i32
    %c0_i32_1 = arith.constant 0 : i32
    return %arg0, %c0_i32, %c0_i32_0 : i32, i32, i32
  }
  func.func @transform_1(%arg0: i32, %arg1: i32) -> (i32, i32, i32) {
    %c0_i32 = arith.constant 0 : i32
    %c0_i32_0 = arith.constant 0 : i32
    return %arg0, %arg1, %c0_i32 : i32, i32, i32
  }
  func.func @transform_2(%arg0: i32, %arg1: i32) -> (i32, i32, i32) {
    %c0_i32 = arith.constant 0 : i32
    %c0_i32_0 = arith.constant 0 : i32
    return %arg0, %arg1, %c0_i32 : i32, i32, i32
  }
  func.func @transform_3(%arg0: i32, %arg1: i32) -> (i32, i32) {
    %c0_i32 = arith.constant 0 : i32
    %c0_i32_0 = arith.constant 0 : i32
    %c0_i32_1 = arith.constant 0 : i32
    return %c0_i32, %c0_i32_0 : i32, i32
  }
  func.func @transform_4(%arg0: i32, %arg1: i32) -> (i32, i32) {
    %c0_i32 = arith.constant 0 : i32
    %c0_i32_0 = arith.constant 0 : i32
    %c0_i32_1 = arith.constant 0 : i32
    return %c0_i32, %c0_i32_0 : i32, i32
  }
  func.func @transform_5(%arg0: i32, %arg1: i32) -> (i32, i32) {
    %c0_i32 = arith.constant 0 : i32
    %c0_i32_0 = arith.constant 0 : i32
    %c0_i32_1 = arith.constant 0 : i32
    return %c0_i32, %c0_i32_0 : i32, i32
  }
  func.func @transform_6(%arg0: i32, %arg1: i32) -> (i32, i32) {
    %c0_i32 = arith.constant 0 : i32
    %c0_i32_0 = arith.constant 0 : i32
    %c0_i32_1 = arith.constant 0 : i32
    return %c0_i32, %c0_i32_0 : i32, i32
  }
  func.func @transform_7(%arg0: i32, %arg1: i32) -> (i32, i32) {
    %c0_i32 = arith.constant 0 : i32
    %c0_i32_0 = arith.constant 0 : i32
    %c0_i32_1 = arith.constant 0 : i32
    return %c0_i32, %c0_i32_0 : i32, i32
  }
  func.func @transform_8(%arg0: i32, %arg1: i32) -> (i32, i32) {
    %c0_i32 = arith.constant 0 : i32
    %c0_i32_0 = arith.constant 0 : i32
    %c0_i32_1 = arith.constant 0 : i32
    return %c0_i32, %c0_i32_0 : i32, i32
  }
  func.func @transform_9(%arg0: i32, %arg1: i32) -> (i32, i32, i32) {
    %c0_i32 = arith.constant 0 : i32
    %c0_i32_0 = arith.constant 0 : i32
    return %arg0, %arg1, %c0_i32 : i32, i32, i32
  }
}

module attributes {stable_mosaic.version = 14 : i64} {
  func.func @_sa_body(%arg0: i32, %arg1: i32, %arg2: memref<1x2048x9xf32, #tpu.memory_space<vmem>>, %arg3: memref<1x2048x1xi32, #tpu.memory_space<vmem>>, %arg4: memref<1x16x9xf32, #tpu.memory_space<vmem>>, %arg5: memref<9x64xf32, #tpu.memory_space<vmem>>, %arg6: memref<1x64xf32, #tpu.memory_space<vmem>>, %arg7: memref<64x96xf32, #tpu.memory_space<vmem>>, %arg8: memref<1x96xf32, #tpu.memory_space<vmem>>, %arg9: memref<96x128xf32, #tpu.memory_space<vmem>>, %arg10: memref<1x128xf32, #tpu.memory_space<vmem>>, %arg11: memref<1x16x128xf32, #tpu.memory_space<vmem>>) attributes {dimension_semantics = [#tpu.dimension_semantics<arbitrary>, #tpu.dimension_semantics<arbitrary>], iteration_bounds = array<i64: 4, 32>, scalar_prefetch = 0 : i64, scratch_operands = 0 : i64, tpu.core_type = #tpu.core_type<tc>, window_params = [{transform_indices = @transform_0, window_bounds = array<i64: 1, 2048, 9>}, {transform_indices = @transform_1, window_bounds = array<i64: 1, 2048, 1>}, {transform_indices = @transform_2, window_bounds = array<i64: 1, 16, 9>}, {pipeline_mode = #tpu.pipeline_mode<synchronous>, transform_indices = @transform_3, window_bounds = array<i64: 9, 64>}, {pipeline_mode = #tpu.pipeline_mode<synchronous>, transform_indices = @transform_4, window_bounds = array<i64: 1, 64>}, {pipeline_mode = #tpu.pipeline_mode<synchronous>, transform_indices = @transform_5, window_bounds = array<i64: 64, 96>}, {pipeline_mode = #tpu.pipeline_mode<synchronous>, transform_indices = @transform_6, window_bounds = array<i64: 1, 96>}, {pipeline_mode = #tpu.pipeline_mode<synchronous>, transform_indices = @transform_7, window_bounds = array<i64: 96, 128>}, {pipeline_mode = #tpu.pipeline_mode<synchronous>, transform_indices = @transform_8, window_bounds = array<i64: 1, 128>}, {transform_indices = @transform_9, window_bounds = array<i64: 1, 16, 128>}]} {
    %get3A = arith.constant 0 : index
    %get3A_0 = arith.constant 0 : index
    %get3A_1 = arith.constant 0 : index
    %get3A_2 = vector.load %arg2[%get3A, %get3A_0, %get3A_1] : memref<1x2048x9xf32, #tpu.memory_space<vmem>>, vector<1x2048x9xf32>
    %get3A_3 = vector.shape_cast %get3A_2 : vector<1x2048x9xf32> to vector<2048x9xf32>
    %get3A_4 = arith.constant 0 : index
    %get3A_5 = arith.constant 0 : index
    %get3A_6 = arith.constant 0 : index
    %get3A_7 = vector.load %arg3[%get3A_4, %get3A_5, %get3A_6] : memref<1x2048x1xi32, #tpu.memory_space<vmem>>, vector<1x2048x1xi32>
    %get3A_8 = vector.shape_cast %get3A_7 : vector<1x2048x1xi32> to vector<2048x1xi32>
    %get3A_9 = arith.constant 0 : index
    %get3A_10 = arith.constant 0 : index
    %get3A_11 = arith.constant 0 : index
    %get3A_12 = vector.load %arg4[%get3A_9, %get3A_10, %get3A_11] : memref<1x16x9xf32, #tpu.memory_space<vmem>>, vector<1x16x9xf32>
    %get3A_13 = vector.shape_cast %get3A_12 : vector<1x16x9xf32> to vector<16x9xf32>
    %iota3A = tpu.iota {dimensions = array<i32: 1>} : vector<2048x2048xi32>
    %eq3A = vector.broadcast %get3A_8 : vector<2048x1xi32> to vector<2048x2048xi32>
    %eq3A_14 = arith.cmpi eq, %iota3A, %eq3A : vector<2048x2048xi32>
    %convert_element_type3A = arith.extui %eq3A_14 : vector<2048x2048xi1> to vector<2048x2048xi32>
    %convert_element_type3A_15 = arith.sitofp %convert_element_type3A : vector<2048x2048xi32> to vector<2048x2048xf32>
    %dot_general3A = arith.constant dense<0.000000e+00> : vector<2048x9xf32>
    %dot_general3A_16 = tpu.matmul %convert_element_type3A_15, %get3A_3, %dot_general3A {dimension_numbers = #tpu.dot_dimension_numbers<[1], [0], [0], [1], [0, 0, 1, 1], [], []>, transpose_lhs_hint = false} : vector<2048x2048xf32>, vector<2048x9xf32>, vector<2048x9xf32> -> vector<2048x9xf32>
    %iota3A_17 = tpu.iota {dimensions = array<i32: 0>} : vector<2048x16xi32>
    %jit3A = arith.constant 128 : i32
    %div3A = vector.broadcast %jit3A : i32 to vector<2048x16xi32>
    %div3A_18 = arith.divsi %iota3A_17, %div3A : vector<2048x16xi32>
    %sign3A = arith.constant 0 : i32
    %sign3A_19 = vector.broadcast %sign3A : i32 to vector<2048x16xi32>
    %sign3A_20 = arith.cmpi sgt, %iota3A_17, %sign3A_19 : vector<2048x16xi32>
    %sign3A_21 = arith.extui %sign3A_20 : vector<2048x16xi1> to vector<2048x16xi32>
    %sign3A_22 = arith.constant 0 : i32
    %sign3A_23 = vector.broadcast %sign3A_22 : i32 to vector<2048x16xi32>
    %sign3A_24 = arith.cmpi slt, %iota3A_17, %sign3A_23 : vector<2048x16xi32>
    %sign3A_25 = arith.extui %sign3A_24 : vector<2048x16xi1> to vector<2048x16xi32>
    %sign3A_26 = arith.subi %sign3A_21, %sign3A_25 : vector<2048x16xi32>
    %sign3A_27 = arith.constant 0 : i32
    %sign3A_28 = arith.cmpi sgt, %jit3A, %sign3A_27 : i32
    %sign3A_29 = arith.extui %sign3A_28 : i1 to i32
    %sign3A_30 = arith.constant 0 : i32
    %sign3A_31 = arith.cmpi slt, %jit3A, %sign3A_30 : i32
    %sign3A_32 = arith.extui %sign3A_31 : i1 to i32
    %sign3A_33 = arith.subi %sign3A_29, %sign3A_32 : i32
    %ne3A = vector.broadcast %sign3A_33 : i32 to vector<2048x16xi32>
    %ne3A_34 = arith.cmpi ne, %sign3A_26, %ne3A : vector<2048x16xi32>
    %rem3A = vector.broadcast %jit3A : i32 to vector<2048x16xi32>
    %rem3A_35 = arith.remsi %iota3A_17, %rem3A : vector<2048x16xi32>
    %ne3A_36 = arith.constant 0 : i32
    %ne3A_37 = vector.broadcast %ne3A_36 : i32 to vector<2048x16xi32>
    %ne3A_38 = arith.cmpi ne, %rem3A_35, %ne3A_37 : vector<2048x16xi32>
    %and3A = arith.andi %ne3A_34, %ne3A_38 : vector<2048x16xi1>
    %sub3A = arith.constant 1 : i32
    %sub3A_39 = vector.broadcast %sub3A : i32 to vector<2048x16xi32>
    %sub3A_40 = arith.subi %div3A_18, %sub3A_39 : vector<2048x16xi32>
    %select_n3A = arith.select %and3A, %sub3A_40, %div3A_18 : vector<2048x16xi1>, vector<2048x16xi32>
    %iota3A_41 = tpu.iota {dimensions = array<i32: 1>} : vector<2048x16xi32>
    %eq3A_42 = arith.cmpi eq, %select_n3A, %iota3A_41 : vector<2048x16xi32>
    %convert_element_type3A_43 = arith.extui %eq3A_42 : vector<2048x16xi1> to vector<2048x16xi32>
    %convert_element_type3A_44 = arith.sitofp %convert_element_type3A_43 : vector<2048x16xi32> to vector<2048x16xf32>
    %dot_general3A_45 = arith.constant dense<0.000000e+00> : vector<2048x9xf32>
    %dot_general3A_46 = tpu.matmul %convert_element_type3A_44, %get3A_13, %dot_general3A_45 {dimension_numbers = #tpu.dot_dimension_numbers<[1], [0], [0], [1], [0, 0, 1, 1], [], []>, transpose_lhs_hint = false} : vector<2048x16xf32>, vector<16x9xf32>, vector<2048x9xf32> -> vector<2048x9xf32>
    %sub3A_47 = arith.subf %dot_general3A_16, %dot_general3A_46 : vector<2048x9xf32>
    %get3A_48 = arith.constant 0 : index
    %get3A_49 = arith.constant 0 : index
    %get3A_50 = vector.load %arg5[%get3A_48, %get3A_49] : memref<9x64xf32, #tpu.memory_space<vmem>>, vector<9x64xf32>
    %get3A_51 = arith.constant 0 : index
    %get3A_52 = arith.constant 0 : index
    %get3A_53 = vector.load %arg6[%get3A_51, %get3A_52] : memref<1x64xf32, #tpu.memory_space<vmem>>, vector<1x64xf32>
    %dot_general3A_54 = arith.constant dense<0.000000e+00> : vector<2048x64xf32>
    %dot_general3A_55 = tpu.matmul %sub3A_47, %get3A_50, %dot_general3A_54 {dimension_numbers = #tpu.dot_dimension_numbers<[1], [0], [0], [1], [0, 0, 1, 1], [], []>, transpose_lhs_hint = false} : vector<2048x9xf32>, vector<9x64xf32>, vector<2048x64xf32> -> vector<2048x64xf32>
    %add3A = vector.broadcast %get3A_53 : vector<1x64xf32> to vector<2048x64xf32>
    %add3A_56 = arith.addf %dot_general3A_55, %add3A : vector<2048x64xf32>
    %max3A = arith.constant 0.000000e+00 : f32
    %max3A_57 = vector.broadcast %max3A : f32 to vector<2048x64xf32>
    %max3A_58 = arith.maximumf %add3A_56, %max3A_57 : vector<2048x64xf32>
    %get3A_59 = arith.constant 0 : index
    %get3A_60 = arith.constant 0 : index
    %get3A_61 = vector.load %arg7[%get3A_59, %get3A_60] : memref<64x96xf32, #tpu.memory_space<vmem>>, vector<64x96xf32>
    %get3A_62 = arith.constant 0 : index
    %get3A_63 = arith.constant 0 : index
    %get3A_64 = vector.load %arg8[%get3A_62, %get3A_63] : memref<1x96xf32, #tpu.memory_space<vmem>>, vector<1x96xf32>
    %dot_general3A_65 = arith.constant dense<0.000000e+00> : vector<2048x96xf32>
    %dot_general3A_66 = tpu.matmul %max3A_58, %get3A_61, %dot_general3A_65 {dimension_numbers = #tpu.dot_dimension_numbers<[1], [0], [0], [1], [0, 0, 1, 1], [], []>, transpose_lhs_hint = false} : vector<2048x64xf32>, vector<64x96xf32>, vector<2048x96xf32> -> vector<2048x96xf32>
    %add3A_67 = vector.broadcast %get3A_64 : vector<1x96xf32> to vector<2048x96xf32>
    %add3A_68 = arith.addf %dot_general3A_66, %add3A_67 : vector<2048x96xf32>
    %max3A_69 = arith.constant 0.000000e+00 : f32
    %max3A_70 = vector.broadcast %max3A_69 : f32 to vector<2048x96xf32>
    %max3A_71 = arith.maximumf %add3A_68, %max3A_70 : vector<2048x96xf32>
    %get3A_72 = arith.constant 0 : index
    %get3A_73 = arith.constant 0 : index
    %get3A_74 = vector.load %arg9[%get3A_72, %get3A_73] : memref<96x128xf32, #tpu.memory_space<vmem>>, vector<96x128xf32>
    %get3A_75 = arith.constant 0 : index
    %get3A_76 = arith.constant 0 : index
    %get3A_77 = vector.load %arg10[%get3A_75, %get3A_76] : memref<1x128xf32, #tpu.memory_space<vmem>>, vector<1x128xf32>
    %dot_general3A_78 = arith.constant dense<0.000000e+00> : vector<2048x128xf32>
    %dot_general3A_79 = tpu.matmul %max3A_71, %get3A_74, %dot_general3A_78 {dimension_numbers = #tpu.dot_dimension_numbers<[1], [0], [0], [1], [0, 0, 1, 1], [], []>, transpose_lhs_hint = false} : vector<2048x96xf32>, vector<96x128xf32>, vector<2048x128xf32> -> vector<2048x128xf32>
    %add3A_80 = vector.broadcast %get3A_77 : vector<1x128xf32> to vector<2048x128xf32>
    %add3A_81 = arith.addf %dot_general3A_79, %add3A_80 : vector<2048x128xf32>
    %max3A_82 = arith.constant 0.000000e+00 : f32
    %max3A_83 = vector.broadcast %max3A_82 : f32 to vector<2048x128xf32>
    %max3A_84 = arith.maximumf %add3A_81, %max3A_83 : vector<2048x128xf32>
    %reshape3A = vector.shape_cast %max3A_84 : vector<2048x128xf32> to vector<16x128x128xf32>
    %reduce_max3A = arith.constant dense<0xFF800000> : vector<16x128xf32>
    %reduce_max3A_85 = vector.multi_reduction <maximumf>, %reshape3A, %reduce_max3A [1] : vector<16x128x128xf32> to vector<16x128xf32>
    %swap3A = arith.constant 0 : index
    %swap3A_86 = arith.constant 0 : index
    %swap3A_87 = arith.constant 0 : index
    %swap3A_88 = vector.load %arg11[%swap3A, %swap3A_86, %swap3A_87] : memref<1x16x128xf32, #tpu.memory_space<vmem>>, vector<1x16x128xf32>
    %swap3A_89 = vector.shape_cast %swap3A_88 : vector<1x16x128xf32> to vector<16x128xf32>
    %swap3A_90 = vector.shape_cast %reduce_max3A_85 : vector<16x128xf32> to vector<1x16x128xf32>
    tpu.vector_store %arg11[%swap3A, %swap3A_86, %swap3A_87], %swap3A_90 {strides = array<i32>} : memref<1x16x128xf32, #tpu.memory_space<vmem>>, vector<1x16x128xf32>,
    return
  }
  func.func @transform_0(%arg0: i32, %arg1: i32) -> (i32, i32, i32) {
    %c0_i32 = arith.constant 0 : i32
    %c0_i32_0 = arith.constant 0 : i32
    %c0_i32_1 = arith.constant 0 : i32
    return %arg0, %c0_i32, %c0_i32_0 : i32, i32, i32
  }
  func.func @transform_1(%arg0: i32, %arg1: i32) -> (i32, i32, i32) {
    %c0_i32 = arith.constant 0 : i32
    %c0_i32_0 = arith.constant 0 : i32
    return %arg0, %arg1, %c0_i32 : i32, i32, i32
  }
  func.func @transform_2(%arg0: i32, %arg1: i32) -> (i32, i32, i32) {
    %c0_i32 = arith.constant 0 : i32
    %c0_i32_0 = arith.constant 0 : i32
    return %arg0, %arg1, %c0_i32 : i32, i32, i32
  }
  func.func @transform_3(%arg0: i32, %arg1: i32) -> (i32, i32) {
    %c0_i32 = arith.constant 0 : i32
    %c0_i32_0 = arith.constant 0 : i32
    %c0_i32_1 = arith.constant 0 : i32
    return %c0_i32, %c0_i32_0 : i32, i32
  }
  func.func @transform_4(%arg0: i32, %arg1: i32) -> (i32, i32) {
    %c0_i32 = arith.constant 0 : i32
    %c0_i32_0 = arith.constant 0 : i32
    %c0_i32_1 = arith.constant 0 : i32
    return %c0_i32, %c0_i32_0 : i32, i32
  }
  func.func @transform_5(%arg0: i32, %arg1: i32) -> (i32, i32) {
    %c0_i32 = arith.constant 0 : i32
    %c0_i32_0 = arith.constant 0 : i32
    %c0_i32_1 = arith.constant 0 : i32
    return %c0_i32, %c0_i32_0 : i32, i32
  }
  func.func @transform_6(%arg0: i32, %arg1: i32) -> (i32, i32) {
    %c0_i32 = arith.constant 0 : i32
    %c0_i32_0 = arith.constant 0 : i32
    %c0_i32_1 = arith.constant 0 : i32
    return %c0_i32, %c0_i32_0 : i32, i32
  }
  func.func @transform_7(%arg0: i32, %arg1: i32) -> (i32, i32) {
    %c0_i32 = arith.constant 0 : i32
    %c0_i32_0 = arith.constant 0 : i32
    %c0_i32_1 = arith.constant 0 : i32
    return %c0_i32, %c0_i32_0 : i32, i32
  }
  func.func @transform_8(%arg0: i32, %arg1: i32) -> (i32, i32) {
    %c0_i32 = arith.constant 0 : i32
    %c0_i32_0 = arith.constant 0 : i32
    %c0_i32_1 = arith.constant 0 : i32
    return %c0_i32, %c0_i32_0 : i32, i32
  }
  func.func @transform_9(%arg0: i32, %arg1: i32) -> (i32, i32, i32) {
    %c0_i32 = arith.constant 0 : i32
    %c0_i32_0 = arith.constant 0 : i32
    return %arg0, %arg1, %c0_i32 : i32, i32, i32
  }
}

module attributes {stable_mosaic.version = 14 : i64} {
  func.func @_sa_body(%arg0: i32, %arg1: i32, %arg2: memref<1x512x323xf32, #tpu.memory_space<vmem>>, %arg3: memref<1x2048x1xi32, #tpu.memory_space<vmem>>, %arg4: memref<1x32x323xf32, #tpu.memory_space<vmem>>, %arg5: memref<323x128xf32, #tpu.memory_space<vmem>>, %arg6: memref<1x128xf32, #tpu.memory_space<vmem>>, %arg7: memref<128x128xf32, #tpu.memory_space<vmem>>, %arg8: memref<1x128xf32, #tpu.memory_space<vmem>>, %arg9: memref<128x256xf32, #tpu.memory_space<vmem>>, %arg10: memref<1x256xf32, #tpu.memory_space<vmem>>, %arg11: memref<1x32x256xf32, #tpu.memory_space<vmem>>) attributes {dimension_semantics = [#tpu.dimension_semantics<arbitrary>, #tpu.dimension_semantics<arbitrary>], iteration_bounds = array<i64: 4, 4>, scalar_prefetch = 0 : i64, scratch_operands = 0 : i64, tpu.core_type = #tpu.core_type<tc>, window_params = [{transform_indices = @transform_0, window_bounds = array<i64: 1, 512, 323>}, {transform_indices = @transform_1, window_bounds = array<i64: 1, 2048, 1>}, {transform_indices = @transform_2, window_bounds = array<i64: 1, 32, 323>}, {pipeline_mode = #tpu.pipeline_mode<synchronous>, transform_indices = @transform_3, window_bounds = array<i64: 323, 128>}, {pipeline_mode = #tpu.pipeline_mode<synchronous>, transform_indices = @transform_4, window_bounds = array<i64: 1, 128>}, {pipeline_mode = #tpu.pipeline_mode<synchronous>, transform_indices = @transform_5, window_bounds = array<i64: 128, 128>}, {pipeline_mode = #tpu.pipeline_mode<synchronous>, transform_indices = @transform_6, window_bounds = array<i64: 1, 128>}, {pipeline_mode = #tpu.pipeline_mode<synchronous>, transform_indices = @transform_7, window_bounds = array<i64: 128, 256>}, {pipeline_mode = #tpu.pipeline_mode<synchronous>, transform_indices = @transform_8, window_bounds = array<i64: 1, 256>}, {transform_indices = @transform_9, window_bounds = array<i64: 1, 32, 256>}]} {
    %get3A = arith.constant 0 : index
    %get3A_0 = arith.constant 0 : index
    %get3A_1 = arith.constant 0 : index
    %get3A_2 = vector.load %arg2[%get3A, %get3A_0, %get3A_1] : memref<1x512x323xf32, #tpu.memory_space<vmem>>, vector<1x512x323xf32>
    %get3A_3 = vector.shape_cast %get3A_2 : vector<1x512x323xf32> to vector<512x323xf32>
    %get3A_4 = arith.constant 0 : index
    %get3A_5 = arith.constant 0 : index
    %get3A_6 = arith.constant 0 : index
    %get3A_7 = vector.load %arg3[%get3A_4, %get3A_5, %get3A_6] : memref<1x2048x1xi32, #tpu.memory_space<vmem>>, vector<1x2048x1xi32>
    %get3A_8 = vector.shape_cast %get3A_7 : vector<1x2048x1xi32> to vector<2048x1xi32>
    %get3A_9 = arith.constant 0 : index
    %get3A_10 = arith.constant 0 : index
    %get3A_11 = arith.constant 0 : index
    %get3A_12 = vector.load %arg4[%get3A_9, %get3A_10, %get3A_11] : memref<1x32x323xf32, #tpu.memory_space<vmem>>, vector<1x32x323xf32>
    %get3A_13 = vector.shape_cast %get3A_12 : vector<1x32x323xf32> to vector<32x323xf32>
    %iota3A = tpu.iota {dimensions = array<i32: 1>} : vector<2048x512xi32>
    %eq3A = vector.broadcast %get3A_8 : vector<2048x1xi32> to vector<2048x512xi32>
    %eq3A_14 = arith.cmpi eq, %iota3A, %eq3A : vector<2048x512xi32>
    %convert_element_type3A = arith.extui %eq3A_14 : vector<2048x512xi1> to vector<2048x512xi32>
    %convert_element_type3A_15 = arith.sitofp %convert_element_type3A : vector<2048x512xi32> to vector<2048x512xf32>
    %dot_general3A = arith.constant dense<0.000000e+00> : vector<2048x323xf32>
    %dot_general3A_16 = tpu.matmul %convert_element_type3A_15, %get3A_3, %dot_general3A {dimension_numbers = #tpu.dot_dimension_numbers<[1], [0], [0], [1], [0, 0, 1, 1], [], []>, transpose_lhs_hint = false} : vector<2048x512xf32>, vector<512x323xf32>, vector<2048x323xf32> -> vector<2048x323xf32>
    %iota3A_17 = tpu.iota {dimensions = array<i32: 0>} : vector<2048x32xi32>
    %jit3A = arith.constant 64 : i32
    %div3A = vector.broadcast %jit3A : i32 to vector<2048x32xi32>
    %div3A_18 = arith.divsi %iota3A_17, %div3A : vector<2048x32xi32>
    %sign3A = arith.constant 0 : i32
    %sign3A_19 = vector.broadcast %sign3A : i32 to vector<2048x32xi32>
    %sign3A_20 = arith.cmpi sgt, %iota3A_17, %sign3A_19 : vector<2048x32xi32>
    %sign3A_21 = arith.extui %sign3A_20 : vector<2048x32xi1> to vector<2048x32xi32>
    %sign3A_22 = arith.constant 0 : i32
    %sign3A_23 = vector.broadcast %sign3A_22 : i32 to vector<2048x32xi32>
    %sign3A_24 = arith.cmpi slt, %iota3A_17, %sign3A_23 : vector<2048x32xi32>
    %sign3A_25 = arith.extui %sign3A_24 : vector<2048x32xi1> to vector<2048x32xi32>
    %sign3A_26 = arith.subi %sign3A_21, %sign3A_25 : vector<2048x32xi32>
    %sign3A_27 = arith.constant 0 : i32
    %sign3A_28 = arith.cmpi sgt, %jit3A, %sign3A_27 : i32
    %sign3A_29 = arith.extui %sign3A_28 : i1 to i32
    %sign3A_30 = arith.constant 0 : i32
    %sign3A_31 = arith.cmpi slt, %jit3A, %sign3A_30 : i32
    %sign3A_32 = arith.extui %sign3A_31 : i1 to i32
    %sign3A_33 = arith.subi %sign3A_29, %sign3A_32 : i32
    %ne3A = vector.broadcast %sign3A_33 : i32 to vector<2048x32xi32>
    %ne3A_34 = arith.cmpi ne, %sign3A_26, %ne3A : vector<2048x32xi32>
    %rem3A = vector.broadcast %jit3A : i32 to vector<2048x32xi32>
    %rem3A_35 = arith.remsi %iota3A_17, %rem3A : vector<2048x32xi32>
    %ne3A_36 = arith.constant 0 : i32
    %ne3A_37 = vector.broadcast %ne3A_36 : i32 to vector<2048x32xi32>
    %ne3A_38 = arith.cmpi ne, %rem3A_35, %ne3A_37 : vector<2048x32xi32>
    %and3A = arith.andi %ne3A_34, %ne3A_38 : vector<2048x32xi1>
    %sub3A = arith.constant 1 : i32
    %sub3A_39 = vector.broadcast %sub3A : i32 to vector<2048x32xi32>
    %sub3A_40 = arith.subi %div3A_18, %sub3A_39 : vector<2048x32xi32>
    %select_n3A = arith.select %and3A, %sub3A_40, %div3A_18 : vector<2048x32xi1>, vector<2048x32xi32>
    %iota3A_41 = tpu.iota {dimensions = array<i32: 1>} : vector<2048x32xi32>
    %eq3A_42 = arith.cmpi eq, %select_n3A, %iota3A_41 : vector<2048x32xi32>
    %convert_element_type3A_43 = arith.extui %eq3A_42 : vector<2048x32xi1> to vector<2048x32xi32>
    %convert_element_type3A_44 = arith.sitofp %convert_element_type3A_43 : vector<2048x32xi32> to vector<2048x32xf32>
    %dot_general3A_45 = arith.constant dense<0.000000e+00> : vector<2048x323xf32>
    %dot_general3A_46 = tpu.matmul %convert_element_type3A_44, %get3A_13, %dot_general3A_45 {dimension_numbers = #tpu.dot_dimension_numbers<[1], [0], [0], [1], [0, 0, 1, 1], [], []>, transpose_lhs_hint = false} : vector<2048x32xf32>, vector<32x323xf32>, vector<2048x323xf32> -> vector<2048x323xf32>
    %sub3A_47 = arith.subf %dot_general3A_16, %dot_general3A_46 : vector<2048x323xf32>
    %get3A_48 = arith.constant 0 : index
    %get3A_49 = arith.constant 0 : index
    %get3A_50 = vector.load %arg5[%get3A_48, %get3A_49] : memref<323x128xf32, #tpu.memory_space<vmem>>, vector<323x128xf32>
    %get3A_51 = arith.constant 0 : index
    %get3A_52 = arith.constant 0 : index
    %get3A_53 = vector.load %arg6[%get3A_51, %get3A_52] : memref<1x128xf32, #tpu.memory_space<vmem>>, vector<1x128xf32>
    %dot_general3A_54 = arith.constant dense<0.000000e+00> : vector<2048x128xf32>
    %dot_general3A_55 = tpu.matmul %sub3A_47, %get3A_50, %dot_general3A_54 {dimension_numbers = #tpu.dot_dimension_numbers<[1], [0], [0], [1], [0, 0, 1, 1], [], []>, transpose_lhs_hint = false} : vector<2048x323xf32>, vector<323x128xf32>, vector<2048x128xf32> -> vector<2048x128xf32>
    %add3A = vector.broadcast %get3A_53 : vector<1x128xf32> to vector<2048x128xf32>
    %add3A_56 = arith.addf %dot_general3A_55, %add3A : vector<2048x128xf32>
    %max3A = arith.constant 0.000000e+00 : f32
    %max3A_57 = vector.broadcast %max3A : f32 to vector<2048x128xf32>
    %max3A_58 = arith.maximumf %add3A_56, %max3A_57 : vector<2048x128xf32>
    %get3A_59 = arith.constant 0 : index
    %get3A_60 = arith.constant 0 : index
    %get3A_61 = vector.load %arg7[%get3A_59, %get3A_60] : memref<128x128xf32, #tpu.memory_space<vmem>>, vector<128x128xf32>
    %get3A_62 = arith.constant 0 : index
    %get3A_63 = arith.constant 0 : index
    %get3A_64 = vector.load %arg8[%get3A_62, %get3A_63] : memref<1x128xf32, #tpu.memory_space<vmem>>, vector<1x128xf32>
    %dot_general3A_65 = arith.constant dense<0.000000e+00> : vector<2048x128xf32>
    %dot_general3A_66 = tpu.matmul %max3A_58, %get3A_61, %dot_general3A_65 {dimension_numbers = #tpu.dot_dimension_numbers<[1], [0], [0], [1], [0, 0, 1, 1], [], []>, transpose_lhs_hint = false} : vector<2048x128xf32>, vector<128x128xf32>, vector<2048x128xf32> -> vector<2048x128xf32>
    %add3A_67 = vector.broadcast %get3A_64 : vector<1x128xf32> to vector<2048x128xf32>
    %add3A_68 = arith.addf %dot_general3A_66, %add3A_67 : vector<2048x128xf32>
    %max3A_69 = arith.constant 0.000000e+00 : f32
    %max3A_70 = vector.broadcast %max3A_69 : f32 to vector<2048x128xf32>
    %max3A_71 = arith.maximumf %add3A_68, %max3A_70 : vector<2048x128xf32>
    %get3A_72 = arith.constant 0 : index
    %get3A_73 = arith.constant 0 : index
    %get3A_74 = vector.load %arg9[%get3A_72, %get3A_73] : memref<128x256xf32, #tpu.memory_space<vmem>>, vector<128x256xf32>
    %get3A_75 = arith.constant 0 : index
    %get3A_76 = arith.constant 0 : index
    %get3A_77 = vector.load %arg10[%get3A_75, %get3A_76] : memref<1x256xf32, #tpu.memory_space<vmem>>, vector<1x256xf32>
    %dot_general3A_78 = arith.constant dense<0.000000e+00> : vector<2048x256xf32>
    %dot_general3A_79 = tpu.matmul %max3A_71, %get3A_74, %dot_general3A_78 {dimension_numbers = #tpu.dot_dimension_numbers<[1], [0], [0], [1], [0, 0, 1, 1], [], []>, transpose_lhs_hint = false} : vector<2048x128xf32>, vector<128x256xf32>, vector<2048x256xf32> -> vector<2048x256xf32>
    %add3A_80 = vector.broadcast %get3A_77 : vector<1x256xf32> to vector<2048x256xf32>
    %add3A_81 = arith.addf %dot_general3A_79, %add3A_80 : vector<2048x256xf32>
    %max3A_82 = arith.constant 0.000000e+00 : f32
    %max3A_83 = vector.broadcast %max3A_82 : f32 to vector<2048x256xf32>
    %max3A_84 = arith.maximumf %add3A_81, %max3A_83 : vector<2048x256xf32>
    %reshape3A = vector.shape_cast %max3A_84 : vector<2048x256xf32> to vector<32x64x256xf32>
    %reduce_max3A = arith.constant dense<0xFF800000> : vector<32x256xf32>
    %reduce_max3A_85 = vector.multi_reduction <maximumf>, %reshape3A, %reduce_max3A [1] : vector<32x64x256xf32> to vector<32x256xf32>
    %swap3A = arith.constant 0 : index
    %swap3A_86 = arith.constant 0 : index
    %swap3A_87 = arith.constant 0 : index
    %swap3A_88 = vector.load %arg11[%swap3A, %swap3A_86, %swap3A_87] : memref<1x32x256xf32, #tpu.memory_space<vmem>>, vector<1x32x256xf32>
    %swap3A_89 = vector.shape_cast %swap3A_88 : vector<1x32x256xf32> to vector<32x256xf32>
    %swap3A_90 = vector.shape_cast %reduce_max3A_85 : vector<32x256xf32> to vector<1x32x256xf32>
    tpu.vector_store %arg11[%swap3A, %swap3A_86, %swap3A_87], %swap3A_90 {strides = array<i32>} : memref<1x32x256xf32, #tpu.memory_space<vmem>>, vector<1x32x256xf32>,
    return
  }
  func.func @transform_0(%arg0: i32, %arg1: i32) -> (i32, i32, i32) {
    %c0_i32 = arith.constant 0 : i32
    %c0_i32_0 = arith.constant 0 : i32
    %c0_i32_1 = arith.constant 0 : i32
    return %arg0, %c0_i32, %c0_i32_0 : i32, i32, i32
  }
  func.func @transform_1(%arg0: i32, %arg1: i32) -> (i32, i32, i32) {
    %c0_i32 = arith.constant 0 : i32
    %c0_i32_0 = arith.constant 0 : i32
    return %arg0, %arg1, %c0_i32 : i32, i32, i32
  }
  func.func @transform_2(%arg0: i32, %arg1: i32) -> (i32, i32, i32) {
    %c0_i32 = arith.constant 0 : i32
    %c0_i32_0 = arith.constant 0 : i32
    return %arg0, %arg1, %c0_i32 : i32, i32, i32
  }
  func.func @transform_3(%arg0: i32, %arg1: i32) -> (i32, i32) {
    %c0_i32 = arith.constant 0 : i32
    %c0_i32_0 = arith.constant 0 : i32
    %c0_i32_1 = arith.constant 0 : i32
    return %c0_i32, %c0_i32_0 : i32, i32
  }
  func.func @transform_4(%arg0: i32, %arg1: i32) -> (i32, i32) {
    %c0_i32 = arith.constant 0 : i32
    %c0_i32_0 = arith.constant 0 : i32
    %c0_i32_1 = arith.constant 0 : i32
    return %c0_i32, %c0_i32_0 : i32, i32
  }
  func.func @transform_5(%arg0: i32, %arg1: i32) -> (i32, i32) {
    %c0_i32 = arith.constant 0 : i32
    %c0_i32_0 = arith.constant 0 : i32
    %c0_i32_1 = arith.constant 0 : i32
    return %c0_i32, %c0_i32_0 : i32, i32
  }
  func.func @transform_6(%arg0: i32, %arg1: i32) -> (i32, i32) {
    %c0_i32 = arith.constant 0 : i32
    %c0_i32_0 = arith.constant 0 : i32
    %c0_i32_1 = arith.constant 0 : i32
    return %c0_i32, %c0_i32_0 : i32, i32
  }
  func.func @transform_7(%arg0: i32, %arg1: i32) -> (i32, i32) {
    %c0_i32 = arith.constant 0 : i32
    %c0_i32_0 = arith.constant 0 : i32
    %c0_i32_1 = arith.constant 0 : i32
    return %c0_i32, %c0_i32_0 : i32, i32
  }
  func.func @transform_8(%arg0: i32, %arg1: i32) -> (i32, i32) {
    %c0_i32 = arith.constant 0 : i32
    %c0_i32_0 = arith.constant 0 : i32
    %c0_i32_1 = arith.constant 0 : i32
    return %c0_i32, %c0_i32_0 : i32, i32
  }
  func.func @transform_9(%arg0: i32, %arg1: i32) -> (i32, i32, i32) {
    %c0_i32 = arith.constant 0 : i32
    %c0_i32_0 = arith.constant 0 : i32
    return %arg0, %arg1, %c0_i32 : i32, i32, i32
  }
}

module attributes {stable_mosaic.version = 14 : i64} {
  func.func @_sa_body(%arg0: i32, %arg1: i32, %arg2: memref<1x512x323xf32, #tpu.memory_space<vmem>>, %arg3: memref<1x2048x1xi32, #tpu.memory_space<vmem>>, %arg4: memref<1x16x323xf32, #tpu.memory_space<vmem>>, %arg5: memref<323x128xf32, #tpu.memory_space<vmem>>, %arg6: memref<1x128xf32, #tpu.memory_space<vmem>>, %arg7: memref<128x196xf32, #tpu.memory_space<vmem>>, %arg8: memref<1x196xf32, #tpu.memory_space<vmem>>, %arg9: memref<196x256xf32, #tpu.memory_space<vmem>>, %arg10: memref<1x256xf32, #tpu.memory_space<vmem>>, %arg11: memref<1x16x256xf32, #tpu.memory_space<vmem>>) attributes {dimension_semantics = [#tpu.dimension_semantics<arbitrary>, #tpu.dimension_semantics<arbitrary>], iteration_bounds = array<i64: 4, 8>, scalar_prefetch = 0 : i64, scratch_operands = 0 : i64, tpu.core_type = #tpu.core_type<tc>, window_params = [{transform_indices = @transform_0, window_bounds = array<i64: 1, 512, 323>}, {transform_indices = @transform_1, window_bounds = array<i64: 1, 2048, 1>}, {transform_indices = @transform_2, window_bounds = array<i64: 1, 16, 323>}, {pipeline_mode = #tpu.pipeline_mode<synchronous>, transform_indices = @transform_3, window_bounds = array<i64: 323, 128>}, {pipeline_mode = #tpu.pipeline_mode<synchronous>, transform_indices = @transform_4, window_bounds = array<i64: 1, 128>}, {pipeline_mode = #tpu.pipeline_mode<synchronous>, transform_indices = @transform_5, window_bounds = array<i64: 128, 196>}, {pipeline_mode = #tpu.pipeline_mode<synchronous>, transform_indices = @transform_6, window_bounds = array<i64: 1, 196>}, {pipeline_mode = #tpu.pipeline_mode<synchronous>, transform_indices = @transform_7, window_bounds = array<i64: 196, 256>}, {pipeline_mode = #tpu.pipeline_mode<synchronous>, transform_indices = @transform_8, window_bounds = array<i64: 1, 256>}, {transform_indices = @transform_9, window_bounds = array<i64: 1, 16, 256>}]} {
    %get3A = arith.constant 0 : index
    %get3A_0 = arith.constant 0 : index
    %get3A_1 = arith.constant 0 : index
    %get3A_2 = vector.load %arg2[%get3A, %get3A_0, %get3A_1] : memref<1x512x323xf32, #tpu.memory_space<vmem>>, vector<1x512x323xf32>
    %get3A_3 = vector.shape_cast %get3A_2 : vector<1x512x323xf32> to vector<512x323xf32>
    %get3A_4 = arith.constant 0 : index
    %get3A_5 = arith.constant 0 : index
    %get3A_6 = arith.constant 0 : index
    %get3A_7 = vector.load %arg3[%get3A_4, %get3A_5, %get3A_6] : memref<1x2048x1xi32, #tpu.memory_space<vmem>>, vector<1x2048x1xi32>
    %get3A_8 = vector.shape_cast %get3A_7 : vector<1x2048x1xi32> to vector<2048x1xi32>
    %get3A_9 = arith.constant 0 : index
    %get3A_10 = arith.constant 0 : index
    %get3A_11 = arith.constant 0 : index
    %get3A_12 = vector.load %arg4[%get3A_9, %get3A_10, %get3A_11] : memref<1x16x323xf32, #tpu.memory_space<vmem>>, vector<1x16x323xf32>
    %get3A_13 = vector.shape_cast %get3A_12 : vector<1x16x323xf32> to vector<16x323xf32>
    %iota3A = tpu.iota {dimensions = array<i32: 1>} : vector<2048x512xi32>
    %eq3A = vector.broadcast %get3A_8 : vector<2048x1xi32> to vector<2048x512xi32>
    %eq3A_14 = arith.cmpi eq, %iota3A, %eq3A : vector<2048x512xi32>
    %convert_element_type3A = arith.extui %eq3A_14 : vector<2048x512xi1> to vector<2048x512xi32>
    %convert_element_type3A_15 = arith.sitofp %convert_element_type3A : vector<2048x512xi32> to vector<2048x512xf32>
    %dot_general3A = arith.constant dense<0.000000e+00> : vector<2048x323xf32>
    %dot_general3A_16 = tpu.matmul %convert_element_type3A_15, %get3A_3, %dot_general3A {dimension_numbers = #tpu.dot_dimension_numbers<[1], [0], [0], [1], [0, 0, 1, 1], [], []>, transpose_lhs_hint = false} : vector<2048x512xf32>, vector<512x323xf32>, vector<2048x323xf32> -> vector<2048x323xf32>
    %iota3A_17 = tpu.iota {dimensions = array<i32: 0>} : vector<2048x16xi32>
    %jit3A = arith.constant 128 : i32
    %div3A = vector.broadcast %jit3A : i32 to vector<2048x16xi32>
    %div3A_18 = arith.divsi %iota3A_17, %div3A : vector<2048x16xi32>
    %sign3A = arith.constant 0 : i32
    %sign3A_19 = vector.broadcast %sign3A : i32 to vector<2048x16xi32>
    %sign3A_20 = arith.cmpi sgt, %iota3A_17, %sign3A_19 : vector<2048x16xi32>
    %sign3A_21 = arith.extui %sign3A_20 : vector<2048x16xi1> to vector<2048x16xi32>
    %sign3A_22 = arith.constant 0 : i32
    %sign3A_23 = vector.broadcast %sign3A_22 : i32 to vector<2048x16xi32>
    %sign3A_24 = arith.cmpi slt, %iota3A_17, %sign3A_23 : vector<2048x16xi32>
    %sign3A_25 = arith.extui %sign3A_24 : vector<2048x16xi1> to vector<2048x16xi32>
    %sign3A_26 = arith.subi %sign3A_21, %sign3A_25 : vector<2048x16xi32>
    %sign3A_27 = arith.constant 0 : i32
    %sign3A_28 = arith.cmpi sgt, %jit3A, %sign3A_27 : i32
    %sign3A_29 = arith.extui %sign3A_28 : i1 to i32
    %sign3A_30 = arith.constant 0 : i32
    %sign3A_31 = arith.cmpi slt, %jit3A, %sign3A_30 : i32
    %sign3A_32 = arith.extui %sign3A_31 : i1 to i32
    %sign3A_33 = arith.subi %sign3A_29, %sign3A_32 : i32
    %ne3A = vector.broadcast %sign3A_33 : i32 to vector<2048x16xi32>
    %ne3A_34 = arith.cmpi ne, %sign3A_26, %ne3A : vector<2048x16xi32>
    %rem3A = vector.broadcast %jit3A : i32 to vector<2048x16xi32>
    %rem3A_35 = arith.remsi %iota3A_17, %rem3A : vector<2048x16xi32>
    %ne3A_36 = arith.constant 0 : i32
    %ne3A_37 = vector.broadcast %ne3A_36 : i32 to vector<2048x16xi32>
    %ne3A_38 = arith.cmpi ne, %rem3A_35, %ne3A_37 : vector<2048x16xi32>
    %and3A = arith.andi %ne3A_34, %ne3A_38 : vector<2048x16xi1>
    %sub3A = arith.constant 1 : i32
    %sub3A_39 = vector.broadcast %sub3A : i32 to vector<2048x16xi32>
    %sub3A_40 = arith.subi %div3A_18, %sub3A_39 : vector<2048x16xi32>
    %select_n3A = arith.select %and3A, %sub3A_40, %div3A_18 : vector<2048x16xi1>, vector<2048x16xi32>
    %iota3A_41 = tpu.iota {dimensions = array<i32: 1>} : vector<2048x16xi32>
    %eq3A_42 = arith.cmpi eq, %select_n3A, %iota3A_41 : vector<2048x16xi32>
    %convert_element_type3A_43 = arith.extui %eq3A_42 : vector<2048x16xi1> to vector<2048x16xi32>
    %convert_element_type3A_44 = arith.sitofp %convert_element_type3A_43 : vector<2048x16xi32> to vector<2048x16xf32>
    %dot_general3A_45 = arith.constant dense<0.000000e+00> : vector<2048x323xf32>
    %dot_general3A_46 = tpu.matmul %convert_element_type3A_44, %get3A_13, %dot_general3A_45 {dimension_numbers = #tpu.dot_dimension_numbers<[1], [0], [0], [1], [0, 0, 1, 1], [], []>, transpose_lhs_hint = false} : vector<2048x16xf32>, vector<16x323xf32>, vector<2048x323xf32> -> vector<2048x323xf32>
    %sub3A_47 = arith.subf %dot_general3A_16, %dot_general3A_46 : vector<2048x323xf32>
    %get3A_48 = arith.constant 0 : index
    %get3A_49 = arith.constant 0 : index
    %get3A_50 = vector.load %arg5[%get3A_48, %get3A_49] : memref<323x128xf32, #tpu.memory_space<vmem>>, vector<323x128xf32>
    %get3A_51 = arith.constant 0 : index
    %get3A_52 = arith.constant 0 : index
    %get3A_53 = vector.load %arg6[%get3A_51, %get3A_52] : memref<1x128xf32, #tpu.memory_space<vmem>>, vector<1x128xf32>
    %dot_general3A_54 = arith.constant dense<0.000000e+00> : vector<2048x128xf32>
    %dot_general3A_55 = tpu.matmul %sub3A_47, %get3A_50, %dot_general3A_54 {dimension_numbers = #tpu.dot_dimension_numbers<[1], [0], [0], [1], [0, 0, 1, 1], [], []>, transpose_lhs_hint = false} : vector<2048x323xf32>, vector<323x128xf32>, vector<2048x128xf32> -> vector<2048x128xf32>
    %add3A = vector.broadcast %get3A_53 : vector<1x128xf32> to vector<2048x128xf32>
    %add3A_56 = arith.addf %dot_general3A_55, %add3A : vector<2048x128xf32>
    %max3A = arith.constant 0.000000e+00 : f32
    %max3A_57 = vector.broadcast %max3A : f32 to vector<2048x128xf32>
    %max3A_58 = arith.maximumf %add3A_56, %max3A_57 : vector<2048x128xf32>
    %get3A_59 = arith.constant 0 : index
    %get3A_60 = arith.constant 0 : index
    %get3A_61 = vector.load %arg7[%get3A_59, %get3A_60] : memref<128x196xf32, #tpu.memory_space<vmem>>, vector<128x196xf32>
    %get3A_62 = arith.constant 0 : index
    %get3A_63 = arith.constant 0 : index
    %get3A_64 = vector.load %arg8[%get3A_62, %get3A_63] : memref<1x196xf32, #tpu.memory_space<vmem>>, vector<1x196xf32>
    %dot_general3A_65 = arith.constant dense<0.000000e+00> : vector<2048x196xf32>
    %dot_general3A_66 = tpu.matmul %max3A_58, %get3A_61, %dot_general3A_65 {dimension_numbers = #tpu.dot_dimension_numbers<[1], [0], [0], [1], [0, 0, 1, 1], [], []>, transpose_lhs_hint = false} : vector<2048x128xf32>, vector<128x196xf32>, vector<2048x196xf32> -> vector<2048x196xf32>
    %add3A_67 = vector.broadcast %get3A_64 : vector<1x196xf32> to vector<2048x196xf32>
    %add3A_68 = arith.addf %dot_general3A_66, %add3A_67 : vector<2048x196xf32>
    %max3A_69 = arith.constant 0.000000e+00 : f32
    %max3A_70 = vector.broadcast %max3A_69 : f32 to vector<2048x196xf32>
    %max3A_71 = arith.maximumf %add3A_68, %max3A_70 : vector<2048x196xf32>
    %get3A_72 = arith.constant 0 : index
    %get3A_73 = arith.constant 0 : index
    %get3A_74 = vector.load %arg9[%get3A_72, %get3A_73] : memref<196x256xf32, #tpu.memory_space<vmem>>, vector<196x256xf32>
    %get3A_75 = arith.constant 0 : index
    %get3A_76 = arith.constant 0 : index
    %get3A_77 = vector.load %arg10[%get3A_75, %get3A_76] : memref<1x256xf32, #tpu.memory_space<vmem>>, vector<1x256xf32>
    %dot_general3A_78 = arith.constant dense<0.000000e+00> : vector<2048x256xf32>
    %dot_general3A_79 = tpu.matmul %max3A_71, %get3A_74, %dot_general3A_78 {dimension_numbers = #tpu.dot_dimension_numbers<[1], [0], [0], [1], [0, 0, 1, 1], [], []>, transpose_lhs_hint = false} : vector<2048x196xf32>, vector<196x256xf32>, vector<2048x256xf32> -> vector<2048x256xf32>
    %add3A_80 = vector.broadcast %get3A_77 : vector<1x256xf32> to vector<2048x256xf32>
    %add3A_81 = arith.addf %dot_general3A_79, %add3A_80 : vector<2048x256xf32>
    %max3A_82 = arith.constant 0.000000e+00 : f32
    %max3A_83 = vector.broadcast %max3A_82 : f32 to vector<2048x256xf32>
    %max3A_84 = arith.maximumf %add3A_81, %max3A_83 : vector<2048x256xf32>
    %reshape3A = vector.shape_cast %max3A_84 : vector<2048x256xf32> to vector<16x128x256xf32>
    %reduce_max3A = arith.constant dense<0xFF800000> : vector<16x256xf32>
    %reduce_max3A_85 = vector.multi_reduction <maximumf>, %reshape3A, %reduce_max3A [1] : vector<16x128x256xf32> to vector<16x256xf32>
    %swap3A = arith.constant 0 : index
    %swap3A_86 = arith.constant 0 : index
    %swap3A_87 = arith.constant 0 : index
    %swap3A_88 = vector.load %arg11[%swap3A, %swap3A_86, %swap3A_87] : memref<1x16x256xf32, #tpu.memory_space<vmem>>, vector<1x16x256xf32>
    %swap3A_89 = vector.shape_cast %swap3A_88 : vector<1x16x256xf32> to vector<16x256xf32>
    %swap3A_90 = vector.shape_cast %reduce_max3A_85 : vector<16x256xf32> to vector<1x16x256xf32>
    tpu.vector_store %arg11[%swap3A, %swap3A_86, %swap3A_87], %swap3A_90 {strides = array<i32>} : memref<1x16x256xf32, #tpu.memory_space<vmem>>, vector<1x16x256xf32>,
    return
  }
  func.func @transform_0(%arg0: i32, %arg1: i32) -> (i32, i32, i32) {
    %c0_i32 = arith.constant 0 : i32
    %c0_i32_0 = arith.constant 0 : i32
    %c0_i32_1 = arith.constant 0 : i32
    return %arg0, %c0_i32, %c0_i32_0 : i32, i32, i32
  }
  func.func @transform_1(%arg0: i32, %arg1: i32) -> (i32, i32, i32) {
    %c0_i32 = arith.constant 0 : i32
    %c0_i32_0 = arith.constant 0 : i32
    return %arg0, %arg1, %c0_i32 : i32, i32, i32
  }
  func.func @transform_2(%arg0: i32, %arg1: i32) -> (i32, i32, i32) {
    %c0_i32 = arith.constant 0 : i32
    %c0_i32_0 = arith.constant 0 : i32
    return %arg0, %arg1, %c0_i32 : i32, i32, i32
  }
  func.func @transform_3(%arg0: i32, %arg1: i32) -> (i32, i32) {
    %c0_i32 = arith.constant 0 : i32
    %c0_i32_0 = arith.constant 0 : i32
    %c0_i32_1 = arith.constant 0 : i32
    return %c0_i32, %c0_i32_0 : i32, i32
  }
  func.func @transform_4(%arg0: i32, %arg1: i32) -> (i32, i32) {
    %c0_i32 = arith.constant 0 : i32
    %c0_i32_0 = arith.constant 0 : i32
    %c0_i32_1 = arith.constant 0 : i32
    return %c0_i32, %c0_i32_0 : i32, i32
  }
  func.func @transform_5(%arg0: i32, %arg1: i32) -> (i32, i32) {
    %c0_i32 = arith.constant 0 : i32
    %c0_i32_0 = arith.constant 0 : i32
    %c0_i32_1 = arith.constant 0 : i32
    return %c0_i32, %c0_i32_0 : i32, i32
  }
  func.func @transform_6(%arg0: i32, %arg1: i32) -> (i32, i32) {
    %c0_i32 = arith.constant 0 : i32
    %c0_i32_0 = arith.constant 0 : i32
    %c0_i32_1 = arith.constant 0 : i32
    return %c0_i32, %c0_i32_0 : i32, i32
  }
  func.func @transform_7(%arg0: i32, %arg1: i32) -> (i32, i32) {
    %c0_i32 = arith.constant 0 : i32
    %c0_i32_0 = arith.constant 0 : i32
    %c0_i32_1 = arith.constant 0 : i32
    return %c0_i32, %c0_i32_0 : i32, i32
  }
  func.func @transform_8(%arg0: i32, %arg1: i32) -> (i32, i32) {
    %c0_i32 = arith.constant 0 : i32
    %c0_i32_0 = arith.constant 0 : i32
    %c0_i32_1 = arith.constant 0 : i32
    return %c0_i32, %c0_i32_0 : i32, i32
  }
  func.func @transform_9(%arg0: i32, %arg1: i32) -> (i32, i32, i32) {
    %c0_i32 = arith.constant 0 : i32
    %c0_i32_0 = arith.constant 0 : i32
    return %arg0, %arg1, %c0_i32 : i32, i32, i32
  }
}

module attributes {stable_mosaic.version = 14 : i64} {
  func.func @_ga_body(%arg0: i32, %arg1: memref<1x128x515xf32, #tpu.memory_space<vmem>>, %arg2: memref<515x256xf32, #tpu.memory_space<vmem>>, %arg3: memref<1x256xf32, #tpu.memory_space<vmem>>, %arg4: memref<256x512xf32, #tpu.memory_space<vmem>>, %arg5: memref<1x512xf32, #tpu.memory_space<vmem>>, %arg6: memref<512x1024xf32, #tpu.memory_space<vmem>>, %arg7: memref<1x1024xf32, #tpu.memory_space<vmem>>, %arg8: memref<1x1x1024xf32, #tpu.memory_space<vmem>>) attributes {dimension_semantics = [#tpu.dimension_semantics<arbitrary>], iteration_bounds = array<i64: 4>, scalar_prefetch = 0 : i64, scratch_operands = 0 : i64, tpu.core_type = #tpu.core_type<tc>, window_params = [{transform_indices = @transform_0, window_bounds = array<i64: 1, 128, 515>}, {pipeline_mode = #tpu.pipeline_mode<synchronous>, transform_indices = @transform_1, window_bounds = array<i64: 515, 256>}, {pipeline_mode = #tpu.pipeline_mode<synchronous>, transform_indices = @transform_2, window_bounds = array<i64: 1, 256>}, {pipeline_mode = #tpu.pipeline_mode<synchronous>, transform_indices = @transform_3, window_bounds = array<i64: 256, 512>}, {pipeline_mode = #tpu.pipeline_mode<synchronous>, transform_indices = @transform_4, window_bounds = array<i64: 1, 512>}, {pipeline_mode = #tpu.pipeline_mode<synchronous>, transform_indices = @transform_5, window_bounds = array<i64: 512, 1024>}, {pipeline_mode = #tpu.pipeline_mode<synchronous>, transform_indices = @transform_6, window_bounds = array<i64: 1, 1024>}, {transform_indices = @transform_7, window_bounds = array<i64: 1, 1, 1024>}]} {
    %get3A = arith.constant 0 : index
    %get3A_0 = arith.constant 0 : index
    %get3A_1 = arith.constant 0 : index
    %get3A_2 = vector.load %arg1[%get3A, %get3A_0, %get3A_1] : memref<1x128x515xf32, #tpu.memory_space<vmem>>, vector<1x128x515xf32>
    %get3A_3 = vector.shape_cast %get3A_2 : vector<1x128x515xf32> to vector<128x515xf32>
    %get3A_4 = arith.constant 0 : index
    %get3A_5 = arith.constant 0 : index
    %get3A_6 = vector.load %arg2[%get3A_4, %get3A_5] : memref<515x256xf32, #tpu.memory_space<vmem>>, vector<515x256xf32>
    %get3A_7 = arith.constant 0 : index
    %get3A_8 = arith.constant 0 : index
    %get3A_9 = vector.load %arg3[%get3A_7, %get3A_8] : memref<1x256xf32, #tpu.memory_space<vmem>>, vector<1x256xf32>
    %dot_general3A = arith.constant dense<0.000000e+00> : vector<128x256xf32>
    %dot_general3A_10 = tpu.matmul %get3A_3, %get3A_6, %dot_general3A {dimension_numbers = #tpu.dot_dimension_numbers<[1], [0], [0], [1], [0, 0, 1, 1], [], []>, transpose_lhs_hint = false} : vector<128x515xf32>, vector<515x256xf32>, vector<128x256xf32> -> vector<128x256xf32>
    %add3A = vector.broadcast %get3A_9 : vector<1x256xf32> to vector<128x256xf32>
    %add3A_11 = arith.addf %dot_general3A_10, %add3A : vector<128x256xf32>
    %max3A = arith.constant 0.000000e+00 : f32
    %max3A_12 = vector.broadcast %max3A : f32 to vector<128x256xf32>
    %max3A_13 = arith.maximumf %add3A_11, %max3A_12 : vector<128x256xf32>
    %get3A_14 = arith.constant 0 : index
    %get3A_15 = arith.constant 0 : index
    %get3A_16 = vector.load %arg4[%get3A_14, %get3A_15] : memref<256x512xf32, #tpu.memory_space<vmem>>, vector<256x512xf32>
    %get3A_17 = arith.constant 0 : index
    %get3A_18 = arith.constant 0 : index
    %get3A_19 = vector.load %arg5[%get3A_17, %get3A_18] : memref<1x512xf32, #tpu.memory_space<vmem>>, vector<1x512xf32>
    %dot_general3A_20 = arith.constant dense<0.000000e+00> : vector<128x512xf32>
    %dot_general3A_21 = tpu.matmul %max3A_13, %get3A_16, %dot_general3A_20 {dimension_numbers = #tpu.dot_dimension_numbers<[1], [0], [0], [1], [0, 0, 1, 1], [], []>, transpose_lhs_hint = false} : vector<128x256xf32>, vector<256x512xf32>, vector<128x512xf32> -> vector<128x512xf32>
    %add3A_22 = vector.broadcast %get3A_19 : vector<1x512xf32> to vector<128x512xf32>
    %add3A_23 = arith.addf %dot_general3A_21, %add3A_22 : vector<128x512xf32>
    %max3A_24 = arith.constant 0.000000e+00 : f32
    %max3A_25 = vector.broadcast %max3A_24 : f32 to vector<128x512xf32>
    %max3A_26 = arith.maximumf %add3A_23, %max3A_25 : vector<128x512xf32>
    %get3A_27 = arith.constant 0 : index
    %get3A_28 = arith.constant 0 : index
    %get3A_29 = vector.load %arg6[%get3A_27, %get3A_28] : memref<512x1024xf32, #tpu.memory_space<vmem>>, vector<512x1024xf32>
    %get3A_30 = arith.constant 0 : index
    %get3A_31 = arith.constant 0 : index
    %get3A_32 = vector.load %arg7[%get3A_30, %get3A_31] : memref<1x1024xf32, #tpu.memory_space<vmem>>, vector<1x1024xf32>
    %dot_general3A_33 = arith.constant dense<0.000000e+00> : vector<128x1024xf32>
    %dot_general3A_34 = tpu.matmul %max3A_26, %get3A_29, %dot_general3A_33 {dimension_numbers = #tpu.dot_dimension_numbers<[1], [0], [0], [1], [0, 0, 1, 1], [], []>, transpose_lhs_hint = false} : vector<128x512xf32>, vector<512x1024xf32>, vector<128x1024xf32> -> vector<128x1024xf32>
    %add3A_35 = vector.broadcast %get3A_32 : vector<1x1024xf32> to vector<128x1024xf32>
    %add3A_36 = arith.addf %dot_general3A_34, %add3A_35 : vector<128x1024xf32>
    %max3A_37 = arith.constant 0.000000e+00 : f32
    %max3A_38 = vector.broadcast %max3A_37 : f32 to vector<128x1024xf32>
    %max3A_39 = arith.maximumf %add3A_36, %max3A_38 : vector<128x1024xf32>
    %reduce_max3A = arith.constant dense<0xFF800000> : vector<1024xf32>
    %reduce_max3A_40 = vector.multi_reduction <maximumf>, %max3A_39, %reduce_max3A [0] : vector<128x1024xf32> to vector<1024xf32>
    %broadcast_in_dim3A = vector.shape_cast %reduce_max3A_40 : vector<1024xf32> to vector<1x1024xf32>
    %swap3A = arith.constant 0 : index
    %swap3A_41 = arith.constant 0 : index
    %swap3A_42 = arith.constant 0 : index
    %swap3A_43 = vector.load %arg8[%swap3A, %swap3A_41, %swap3A_42] : memref<1x1x1024xf32, #tpu.memory_space<vmem>>, vector<1x1x1024xf32>
    %swap3A_44 = vector.shape_cast %swap3A_43 : vector<1x1x1024xf32> to vector<1x1024xf32>
    %swap3A_45 = vector.shape_cast %broadcast_in_dim3A : vector<1x1024xf32> to vector<1x1x1024xf32>
    tpu.vector_store %arg8[%swap3A, %swap3A_41, %swap3A_42], %swap3A_45 {strides = array<i32>} : memref<1x1x1024xf32, #tpu.memory_space<vmem>>, vector<1x1x1024xf32>,
    return
  }
  func.func @transform_0(%arg0: i32) -> (i32, i32, i32) {
    %c0_i32 = arith.constant 0 : i32
    %c0_i32_0 = arith.constant 0 : i32
    %c0_i32_1 = arith.constant 0 : i32
    return %arg0, %c0_i32, %c0_i32_0 : i32, i32, i32
  }
  func.func @transform_1(%arg0: i32) -> (i32, i32) {
    %c0_i32 = arith.constant 0 : i32
    %c0_i32_0 = arith.constant 0 : i32
    %c0_i32_1 = arith.constant 0 : i32
    return %c0_i32, %c0_i32_0 : i32, i32
  }
  func.func @transform_2(%arg0: i32) -> (i32, i32) {
    %c0_i32 = arith.constant 0 : i32
    %c0_i32_0 = arith.constant 0 : i32
    %c0_i32_1 = arith.constant 0 : i32
    return %c0_i32, %c0_i32_0 : i32, i32
  }
  func.func @transform_3(%arg0: i32) -> (i32, i32) {
    %c0_i32 = arith.constant 0 : i32
    %c0_i32_0 = arith.constant 0 : i32
    %c0_i32_1 = arith.constant 0 : i32
    return %c0_i32, %c0_i32_0 : i32, i32
  }
  func.func @transform_4(%arg0: i32) -> (i32, i32) {
    %c0_i32 = arith.constant 0 : i32
    %c0_i32_0 = arith.constant 0 : i32
    %c0_i32_1 = arith.constant 0 : i32
    return %c0_i32, %c0_i32_0 : i32, i32
  }
  func.func @transform_5(%arg0: i32) -> (i32, i32) {
    %c0_i32 = arith.constant 0 : i32
    %c0_i32_0 = arith.constant 0 : i32
    %c0_i32_1 = arith.constant 0 : i32
    return %c0_i32, %c0_i32_0 : i32, i32
  }
  func.func @transform_6(%arg0: i32) -> (i32, i32) {
    %c0_i32 = arith.constant 0 : i32
    %c0_i32_0 = arith.constant 0 : i32
    %c0_i32_1 = arith.constant 0 : i32
    return %c0_i32, %c0_i32_0 : i32, i32
  }
  func.func @transform_7(%arg0: i32) -> (i32, i32, i32) {
    %c0_i32 = arith.constant 0 : i32
    %c0_i32_0 = arith.constant 0 : i32
    %c0_i32_1 = arith.constant 0 : i32
    return %arg0, %c0_i32, %c0_i32_0 : i32, i32, i32
  }
}

module attributes {stable_mosaic.version = 14 : i64} {
  func.func @_fp1_body(%arg0: i32, %arg1: memref<1x128x512xf32, #tpu.memory_space<vmem>>, %arg2: memref<1x1x1024xf32, #tpu.memory_space<vmem>>, %arg3: memref<512x256xf32, #tpu.memory_space<vmem>>, %arg4: memref<1024x256xf32, #tpu.memory_space<vmem>>, %arg5: memref<1x256xf32, #tpu.memory_space<vmem>>, %arg6: memref<256x256xf32, #tpu.memory_space<vmem>>, %arg7: memref<1x256xf32, #tpu.memory_space<vmem>>, %arg8: memref<1x128x256xf32, #tpu.memory_space<vmem>>) attributes {dimension_semantics = [#tpu.dimension_semantics<arbitrary>], iteration_bounds = array<i64: 4>, scalar_prefetch = 0 : i64, scratch_operands = 0 : i64, tpu.core_type = #tpu.core_type<tc>, window_params = [{transform_indices = @transform_0, window_bounds = array<i64: 1, 128, 512>}, {transform_indices = @transform_1, window_bounds = array<i64: 1, 1, 1024>}, {pipeline_mode = #tpu.pipeline_mode<synchronous>, transform_indices = @transform_2, window_bounds = array<i64: 512, 256>}, {pipeline_mode = #tpu.pipeline_mode<synchronous>, transform_indices = @transform_3, window_bounds = array<i64: 1024, 256>}, {pipeline_mode = #tpu.pipeline_mode<synchronous>, transform_indices = @transform_4, window_bounds = array<i64: 1, 256>}, {pipeline_mode = #tpu.pipeline_mode<synchronous>, transform_indices = @transform_5, window_bounds = array<i64: 256, 256>}, {pipeline_mode = #tpu.pipeline_mode<synchronous>, transform_indices = @transform_6, window_bounds = array<i64: 1, 256>}, {transform_indices = @transform_7, window_bounds = array<i64: 1, 128, 256>}]} {
    %get3A = arith.constant 0 : index
    %get3A_0 = arith.constant 0 : index
    %get3A_1 = arith.constant 0 : index
    %get3A_2 = vector.load %arg1[%get3A, %get3A_0, %get3A_1] : memref<1x128x512xf32, #tpu.memory_space<vmem>>, vector<1x128x512xf32>
    %get3A_3 = vector.shape_cast %get3A_2 : vector<1x128x512xf32> to vector<128x512xf32>
    %get3A_4 = arith.constant 0 : index
    %get3A_5 = arith.constant 0 : index
    %get3A_6 = arith.constant 0 : index
    %get3A_7 = vector.load %arg2[%get3A_4, %get3A_5, %get3A_6] : memref<1x1x1024xf32, #tpu.memory_space<vmem>>, vector<1x1x1024xf32>
    %get3A_8 = vector.shape_cast %get3A_7 : vector<1x1x1024xf32> to vector<1x1024xf32>
    %get3A_9 = arith.constant 0 : index
    %get3A_10 = arith.constant 0 : index
    %get3A_11 = vector.load %arg3[%get3A_9, %get3A_10] : memref<512x256xf32, #tpu.memory_space<vmem>>, vector<512x256xf32>
    %dot_general3A = arith.constant dense<0.000000e+00> : vector<128x256xf32>
    %dot_general3A_12 = tpu.matmul %get3A_3, %get3A_11, %dot_general3A {dimension_numbers = #tpu.dot_dimension_numbers<[1], [0], [0], [1], [0, 0, 1, 1], [], []>, transpose_lhs_hint = false} : vector<128x512xf32>, vector<512x256xf32>, vector<128x256xf32> -> vector<128x256xf32>
    %get3A_13 = arith.constant 0 : index
    %get3A_14 = arith.constant 0 : index
    %get3A_15 = vector.load %arg4[%get3A_13, %get3A_14] : memref<1024x256xf32, #tpu.memory_space<vmem>>, vector<1024x256xf32>
    %dot_general3A_16 = arith.constant dense<0.000000e+00> : vector<1x256xf32>
    %dot_general3A_17 = tpu.matmul %get3A_8, %get3A_15, %dot_general3A_16 {dimension_numbers = #tpu.dot_dimension_numbers<[1], [0], [0], [1], [0, 0, 1, 1], [], []>, transpose_lhs_hint = false} : vector<1x1024xf32>, vector<1024x256xf32>, vector<1x256xf32> -> vector<1x256xf32>
    %add3A = vector.broadcast %dot_general3A_17 : vector<1x256xf32> to vector<128x256xf32>
    %add3A_18 = arith.addf %dot_general3A_12, %add3A : vector<128x256xf32>
    %get3A_19 = arith.constant 0 : index
    %get3A_20 = arith.constant 0 : index
    %get3A_21 = vector.load %arg5[%get3A_19, %get3A_20] : memref<1x256xf32, #tpu.memory_space<vmem>>, vector<1x256xf32>
    %add3A_22 = vector.broadcast %get3A_21 : vector<1x256xf32> to vector<128x256xf32>
    %add3A_23 = arith.addf %add3A_18, %add3A_22 : vector<128x256xf32>
    %max3A = arith.constant 0.000000e+00 : f32
    %max3A_24 = vector.broadcast %max3A : f32 to vector<128x256xf32>
    %max3A_25 = arith.maximumf %add3A_23, %max3A_24 : vector<128x256xf32>
    %get3A_26 = arith.constant 0 : index
    %get3A_27 = arith.constant 0 : index
    %get3A_28 = vector.load %arg6[%get3A_26, %get3A_27] : memref<256x256xf32, #tpu.memory_space<vmem>>, vector<256x256xf32>
    %dot_general3A_29 = arith.constant dense<0.000000e+00> : vector<128x256xf32>
    %dot_general3A_30 = tpu.matmul %max3A_25, %get3A_28, %dot_general3A_29 {dimension_numbers = #tpu.dot_dimension_numbers<[1], [0], [0], [1], [0, 0, 1, 1], [], []>, transpose_lhs_hint = false} : vector<128x256xf32>, vector<256x256xf32>, vector<128x256xf32> -> vector<128x256xf32>
    %get3A_31 = arith.constant 0 : index
    %get3A_32 = arith.constant 0 : index
    %get3A_33 = vector.load %arg7[%get3A_31, %get3A_32] : memref<1x256xf32, #tpu.memory_space<vmem>>, vector<1x256xf32>
    %add3A_34 = vector.broadcast %get3A_33 : vector<1x256xf32> to vector<128x256xf32>
    %add3A_35 = arith.addf %dot_general3A_30, %add3A_34 : vector<128x256xf32>
    %max3A_36 = arith.constant 0.000000e+00 : f32
    %max3A_37 = vector.broadcast %max3A_36 : f32 to vector<128x256xf32>
    %max3A_38 = arith.maximumf %add3A_35, %max3A_37 : vector<128x256xf32>
    %swap3A = arith.constant 0 : index
    %swap3A_39 = arith.constant 0 : index
    %swap3A_40 = arith.constant 0 : index
    %swap3A_41 = vector.load %arg8[%swap3A, %swap3A_39, %swap3A_40] : memref<1x128x256xf32, #tpu.memory_space<vmem>>, vector<1x128x256xf32>
    %swap3A_42 = vector.shape_cast %swap3A_41 : vector<1x128x256xf32> to vector<128x256xf32>
    %swap3A_43 = vector.shape_cast %max3A_38 : vector<128x256xf32> to vector<1x128x256xf32>
    tpu.vector_store %arg8[%swap3A, %swap3A_39, %swap3A_40], %swap3A_43 {strides = array<i32>} : memref<1x128x256xf32, #tpu.memory_space<vmem>>, vector<1x128x256xf32>,
    return
  }
  func.func @transform_0(%arg0: i32) -> (i32, i32, i32) {
    %c0_i32 = arith.constant 0 : i32
    %c0_i32_0 = arith.constant 0 : i32
    %c0_i32_1 = arith.constant 0 : i32
    return %arg0, %c0_i32, %c0_i32_0 : i32, i32, i32
  }
  func.func @transform_1(%arg0: i32) -> (i32, i32, i32) {
    %c0_i32 = arith.constant 0 : i32
    %c0_i32_0 = arith.constant 0 : i32
    %c0_i32_1 = arith.constant 0 : i32
    return %arg0, %c0_i32, %c0_i32_0 : i32, i32, i32
  }
  func.func @transform_2(%arg0: i32) -> (i32, i32) {
    %c0_i32 = arith.constant 0 : i32
    %c0_i32_0 = arith.constant 0 : i32
    %c0_i32_1 = arith.constant 0 : i32
    return %c0_i32, %c0_i32_0 : i32, i32
  }
  func.func @transform_3(%arg0: i32) -> (i32, i32) {
    %c0_i32 = arith.constant 0 : i32
    %c0_i32_0 = arith.constant 0 : i32
    %c0_i32_1 = arith.constant 0 : i32
    return %c0_i32, %c0_i32_0 : i32, i32
  }
  func.func @transform_4(%arg0: i32) -> (i32, i32) {
    %c0_i32 = arith.constant 0 : i32
    %c0_i32_0 = arith.constant 0 : i32
    %c0_i32_1 = arith.constant 0 : i32
    return %c0_i32, %c0_i32_0 : i32, i32
  }
  func.func @transform_5(%arg0: i32) -> (i32, i32) {
    %c0_i32 = arith.constant 0 : i32
    %c0_i32_0 = arith.constant 0 : i32
    %c0_i32_1 = arith.constant 0 : i32
    return %c0_i32, %c0_i32_0 : i32, i32
  }
  func.func @transform_6(%arg0: i32) -> (i32, i32) {
    %c0_i32 = arith.constant 0 : i32
    %c0_i32_0 = arith.constant 0 : i32
    %c0_i32_1 = arith.constant 0 : i32
    return %c0_i32, %c0_i32_0 : i32, i32
  }
  func.func @transform_7(%arg0: i32) -> (i32, i32, i32) {
    %c0_i32 = arith.constant 0 : i32
    %c0_i32_0 = arith.constant 0 : i32
    %c0_i32_1 = arith.constant 0 : i32
    return %arg0, %c0_i32, %c0_i32_0 : i32, i32, i32
  }
}

module attributes {stable_mosaic.version = 14 : i64} {
  func.func @_fp_body(%arg0: i32, %arg1: memref<1x512x3xf32, #tpu.memory_space<vmem>>, %arg2: memref<1x128x3xf32, #tpu.memory_space<vmem>>, %arg3: memref<1x512x320xf32, #tpu.memory_space<vmem>>, %arg4: memref<1x128x256xf32, #tpu.memory_space<vmem>>, %arg5: memref<320x256xf32, #tpu.memory_space<vmem>>, %arg6: memref<256x256xf32, #tpu.memory_space<vmem>>, %arg7: memref<1x256xf32, #tpu.memory_space<vmem>>, %arg8: memref<256x128xf32, #tpu.memory_space<vmem>>, %arg9: memref<1x128xf32, #tpu.memory_space<vmem>>, %arg10: memref<1x512x128xf32, #tpu.memory_space<vmem>>) attributes {dimension_semantics = [#tpu.dimension_semantics<arbitrary>], iteration_bounds = array<i64: 4>, scalar_prefetch = 0 : i64, scratch_operands = 0 : i64, tpu.core_type = #tpu.core_type<tc>, window_params = [{transform_indices = @transform_0, window_bounds = array<i64: 1, 512, 3>}, {transform_indices = @transform_1, window_bounds = array<i64: 1, 128, 3>}, {transform_indices = @transform_2, window_bounds = array<i64: 1, 512, 320>}, {transform_indices = @transform_3, window_bounds = array<i64: 1, 128, 256>}, {pipeline_mode = #tpu.pipeline_mode<synchronous>, transform_indices = @transform_4, window_bounds = array<i64: 320, 256>}, {pipeline_mode = #tpu.pipeline_mode<synchronous>, transform_indices = @transform_5, window_bounds = array<i64: 256, 256>}, {pipeline_mode = #tpu.pipeline_mode<synchronous>, transform_indices = @transform_6, window_bounds = array<i64: 1, 256>}, {pipeline_mode = #tpu.pipeline_mode<synchronous>, transform_indices = @transform_7, window_bounds = array<i64: 256, 128>}, {pipeline_mode = #tpu.pipeline_mode<synchronous>, transform_indices = @transform_8, window_bounds = array<i64: 1, 128>}, {transform_indices = @transform_9, window_bounds = array<i64: 1, 512, 128>}]} {
    %get3A = arith.constant 0 : index
    %get3A_0 = arith.constant 0 : index
    %get3A_1 = arith.constant 0 : index
    %get3A_2 = vector.load %arg1[%get3A, %get3A_0, %get3A_1] : memref<1x512x3xf32, #tpu.memory_space<vmem>>, vector<1x512x3xf32>
    %get3A_3 = vector.shape_cast %get3A_2 : vector<1x512x3xf32> to vector<512x3xf32>
    %get3A_4 = arith.constant 0 : index
    %get3A_5 = arith.constant 0 : index
    %get3A_6 = arith.constant 0 : index
    %get3A_7 = vector.load %arg2[%get3A_4, %get3A_5, %get3A_6] : memref<1x128x3xf32, #tpu.memory_space<vmem>>, vector<1x128x3xf32>
    %get3A_8 = vector.shape_cast %get3A_7 : vector<1x128x3xf32> to vector<128x3xf32>
    %get3A_9 = arith.constant 0 : index
    %get3A_10 = arith.constant 0 : index
    %get3A_11 = arith.constant 0 : index
    %get3A_12 = vector.load %arg3[%get3A_9, %get3A_10, %get3A_11] : memref<1x512x320xf32, #tpu.memory_space<vmem>>, vector<1x512x320xf32>
    %get3A_13 = vector.shape_cast %get3A_12 : vector<1x512x320xf32> to vector<512x320xf32>
    %get3A_14 = arith.constant 0 : index
    %get3A_15 = arith.constant 0 : index
    %get3A_16 = arith.constant 0 : index
    %get3A_17 = vector.load %arg4[%get3A_14, %get3A_15, %get3A_16] : memref<1x128x256xf32, #tpu.memory_space<vmem>>, vector<1x128x256xf32>
    %get3A_18 = vector.shape_cast %get3A_17 : vector<1x128x256xf32> to vector<128x256xf32>
    %dot_general3A = arith.constant dense<0.000000e+00> : vector<512x128xf32>
    %dot_general3A_19 = tpu.matmul %get3A_3, %get3A_8, %dot_general3A {dimension_numbers = #tpu.dot_dimension_numbers<[1], [1], [0], [0], [0, 0, 1, 0], [], []>, transpose_lhs_hint = false} : vector<512x3xf32>, vector<128x3xf32>, vector<512x128xf32> -> vector<512x128xf32>
    %mul3A = arith.constant -2.000000e+00 : f32
    %mul3A_20 = vector.broadcast %mul3A : f32 to vector<512x128xf32>
    %mul3A_21 = arith.mulf %mul3A_20, %dot_general3A_19 : vector<512x128xf32>
    %mul3A_22 = arith.mulf %get3A_3, %get3A_3 : vector<512x3xf32>
    %reduce_sum3A = arith.constant dense<0.000000e+00> : vector<512xf32>
    %reduce_sum3A_23 = vector.multi_reduction <add>, %mul3A_22, %reduce_sum3A [1] : vector<512x3xf32> to vector<512xf32>
    %broadcast_in_dim3A = vector.shape_cast %reduce_sum3A_23 : vector<512xf32> to vector<512x1xf32>
    %add3A = vector.broadcast %broadcast_in_dim3A : vector<512x1xf32> to vector<512x128xf32>
    %add3A_24 = arith.addf %mul3A_21, %add3A : vector<512x128xf32>
    %mul3A_25 = arith.mulf %get3A_8, %get3A_8 : vector<128x3xf32>
    %reduce_sum3A_26 = arith.constant dense<0.000000e+00> : vector<128xf32>
    %reduce_sum3A_27 = vector.multi_reduction <add>, %mul3A_25, %reduce_sum3A_26 [1] : vector<128x3xf32> to vector<128xf32>
    %broadcast_in_dim3A_28 = vector.shape_cast %reduce_sum3A_27 : vector<128xf32> to vector<128x1xf32>
    %reshape3A = vector.shape_cast %broadcast_in_dim3A_28 : vector<128x1xf32> to vector<1x128xf32>
    %add3A_29 = vector.broadcast %reshape3A : vector<1x128xf32> to vector<512x128xf32>
    %add3A_30 = arith.addf %add3A_24, %add3A_29 : vector<512x128xf32>
    %broadcast_in_dim3A_31 = arith.constant 0.000000e+00 : f32
    %broadcast_in_dim3A_32 = vector.broadcast %broadcast_in_dim3A_31 : f32 to vector<512x128xf32>
    %broadcast_in_dim3A_33 = arith.constant 0.000000e+00 : f32
    %broadcast_in_dim3A_34 = vector.broadcast %broadcast_in_dim3A_33 : f32 to vector<512x1xf32>
    %iota3A = tpu.iota {dimensions = array<i32: 1>} : vector<512x128xi32>
    %reduce_min3A = arith.constant dense<0x7F800000> : vector<512xf32>
    %reduce_min3A_35 = vector.multi_reduction <minimumf>, %add3A_30, %reduce_min3A [1] : vector<512x128xf32> to vector<512xf32>
    %broadcast_in_dim3A_36 = vector.shape_cast %reduce_min3A_35 : vector<512xf32> to vector<512x1xf32>
    %argmin3A = tpu.reduce_index %add3A_30 {axis = 1 : i32, kind = #tpu.reduction_kind<arg_min>} : vector<512x128xf32> -> vector<512xi32>
    %broadcast_in_dim3A_37 = vector.shape_cast %argmin3A : vector<512xi32> to vector<512x1xi32>
    %eq3A = vector.broadcast %broadcast_in_dim3A_37 : vector<512x1xi32> to vector<512x128xi32>
    %eq3A_38 = arith.cmpi eq, %iota3A, %eq3A : vector<512x128xi32>
    %convert_element_type3A = arith.extui %eq3A_38 : vector<512x128xi1> to vector<512x128xi32>
    %convert_element_type3A_39 = arith.sitofp %convert_element_type3A : vector<512x128xi32> to vector<512x128xf32>
    %add3A_40 = arith.constant 9.99999993E-9 : f32
    %add3A_41 = vector.broadcast %add3A_40 : f32 to vector<512x1xf32>
    %add3A_42 = arith.addf %broadcast_in_dim3A_36, %add3A_41 : vector<512x1xf32>
    %div3A = arith.constant 1.000000e+00 : f32
    %div3A_43 = vector.broadcast %div3A : f32 to vector<512x1xf32>
    %div3A_44 = arith.divf %div3A_43, %add3A_42 : vector<512x1xf32>
    %mul3A_45 = vector.broadcast %div3A_44 : vector<512x1xf32> to vector<512x128xf32>
    %mul3A_46 = arith.mulf %convert_element_type3A_39, %mul3A_45 : vector<512x128xf32>
    %add3A_47 = arith.addf %broadcast_in_dim3A_32, %mul3A_46 : vector<512x128xf32>
    %add3A_48 = arith.addf %broadcast_in_dim3A_34, %div3A_44 : vector<512x1xf32>
    %gt3A = arith.constant 0.000000e+00 : f32
    %gt3A_49 = vector.broadcast %gt3A : f32 to vector<512x128xf32>
    %gt3A_50 = arith.cmpf ogt, %convert_element_type3A_39, %gt3A_49 : vector<512x128xf32>
    %jit3A = arith.constant 1.000000e+30 : f32
    %broadcast_in_dim3A_51 = vector.broadcast %jit3A : f32 to vector<512x128xf32>
    %select_n3A = arith.select %gt3A_50, %broadcast_in_dim3A_51, %add3A_30 : vector<512x128xi1>, vector<512x128xf32>
    %reduce_min3A_52 = arith.constant dense<0x7F800000> : vector<512xf32>
    %reduce_min3A_53 = vector.multi_reduction <minimumf>, %select_n3A, %reduce_min3A_52 [1] : vector<512x128xf32> to vector<512xf32>
    %broadcast_in_dim3A_54 = vector.shape_cast %reduce_min3A_53 : vector<512xf32> to vector<512x1xf32>
    %argmin3A_55 = tpu.reduce_index %select_n3A {axis = 1 : i32, kind = #tpu.reduction_kind<arg_min>} : vector<512x128xf32> -> vector<512xi32>
    %broadcast_in_dim3A_56 = vector.shape_cast %argmin3A_55 : vector<512xi32> to vector<512x1xi32>
    %eq3A_57 = vector.broadcast %broadcast_in_dim3A_56 : vector<512x1xi32> to vector<512x128xi32>
    %eq3A_58 = arith.cmpi eq, %iota3A, %eq3A_57 : vector<512x128xi32>
    %convert_element_type3A_59 = arith.extui %eq3A_58 : vector<512x128xi1> to vector<512x128xi32>
    %convert_element_type3A_60 = arith.sitofp %convert_element_type3A_59 : vector<512x128xi32> to vector<512x128xf32>
    %add3A_61 = arith.constant 9.99999993E-9 : f32
    %add3A_62 = vector.broadcast %add3A_61 : f32 to vector<512x1xf32>
    %add3A_63 = arith.addf %broadcast_in_dim3A_54, %add3A_62 : vector<512x1xf32>
    %div3A_64 = arith.constant 1.000000e+00 : f32
    %div3A_65 = vector.broadcast %div3A_64 : f32 to vector<512x1xf32>
    %div3A_66 = arith.divf %div3A_65, %add3A_63 : vector<512x1xf32>
    %mul3A_67 = vector.broadcast %div3A_66 : vector<512x1xf32> to vector<512x128xf32>
    %mul3A_68 = arith.mulf %convert_element_type3A_60, %mul3A_67 : vector<512x128xf32>
    %add3A_69 = arith.addf %add3A_47, %mul3A_68 : vector<512x128xf32>
    %add3A_70 = arith.addf %add3A_48, %div3A_66 : vector<512x1xf32>
    %gt3A_71 = arith.constant 0.000000e+00 : f32
    %gt3A_72 = vector.broadcast %gt3A_71 : f32 to vector<512x128xf32>
    %gt3A_73 = arith.cmpf ogt, %convert_element_type3A_60, %gt3A_72 : vector<512x128xf32>
    %jit3A_74 = arith.constant 1.000000e+30 : f32
    %broadcast_in_dim3A_75 = vector.broadcast %jit3A_74 : f32 to vector<512x128xf32>
    %select_n3A_76 = arith.select %gt3A_73, %broadcast_in_dim3A_75, %select_n3A : vector<512x128xi1>, vector<512x128xf32>
    %reduce_min3A_77 = arith.constant dense<0x7F800000> : vector<512xf32>
    %reduce_min3A_78 = vector.multi_reduction <minimumf>, %select_n3A_76, %reduce_min3A_77 [1] : vector<512x128xf32> to vector<512xf32>
    %broadcast_in_dim3A_79 = vector.shape_cast %reduce_min3A_78 : vector<512xf32> to vector<512x1xf32>
    %argmin3A_80 = tpu.reduce_index %select_n3A_76 {axis = 1 : i32, kind = #tpu.reduction_kind<arg_min>} : vector<512x128xf32> -> vector<512xi32>
    %broadcast_in_dim3A_81 = vector.shape_cast %argmin3A_80 : vector<512xi32> to vector<512x1xi32>
    %eq3A_82 = vector.broadcast %broadcast_in_dim3A_81 : vector<512x1xi32> to vector<512x128xi32>
    %eq3A_83 = arith.cmpi eq, %iota3A, %eq3A_82 : vector<512x128xi32>
    %convert_element_type3A_84 = arith.extui %eq3A_83 : vector<512x128xi1> to vector<512x128xi32>
    %convert_element_type3A_85 = arith.sitofp %convert_element_type3A_84 : vector<512x128xi32> to vector<512x128xf32>
    %add3A_86 = arith.constant 9.99999993E-9 : f32
    %add3A_87 = vector.broadcast %add3A_86 : f32 to vector<512x1xf32>
    %add3A_88 = arith.addf %broadcast_in_dim3A_79, %add3A_87 : vector<512x1xf32>
    %div3A_89 = arith.constant 1.000000e+00 : f32
    %div3A_90 = vector.broadcast %div3A_89 : f32 to vector<512x1xf32>
    %div3A_91 = arith.divf %div3A_90, %add3A_88 : vector<512x1xf32>
    %mul3A_92 = vector.broadcast %div3A_91 : vector<512x1xf32> to vector<512x128xf32>
    %mul3A_93 = arith.mulf %convert_element_type3A_85, %mul3A_92 : vector<512x128xf32>
    %add3A_94 = arith.addf %add3A_69, %mul3A_93 : vector<512x128xf32>
    %add3A_95 = arith.addf %add3A_70, %div3A_91 : vector<512x1xf32>
    %div3A_96 = vector.broadcast %add3A_95 : vector<512x1xf32> to vector<512x128xf32>
    %div3A_97 = arith.divf %add3A_94, %div3A_96 : vector<512x128xf32>
    %dot_general3A_98 = arith.constant dense<0.000000e+00> : vector<512x256xf32>
    %dot_general3A_99 = tpu.matmul %div3A_97, %get3A_18, %dot_general3A_98 {dimension_numbers = #tpu.dot_dimension_numbers<[1], [0], [0], [1], [0, 0, 1, 1], [], []>, transpose_lhs_hint = false} : vector<512x128xf32>, vector<128x256xf32>, vector<512x256xf32> -> vector<512x256xf32>
    %get3A_100 = arith.constant 0 : index
    %get3A_101 = arith.constant 0 : index
    %get3A_102 = vector.load %arg5[%get3A_100, %get3A_101] : memref<320x256xf32, #tpu.memory_space<vmem>>, vector<320x256xf32>
    %dot_general3A_103 = arith.constant dense<0.000000e+00> : vector<512x256xf32>
    %dot_general3A_104 = tpu.matmul %get3A_13, %get3A_102, %dot_general3A_103 {dimension_numbers = #tpu.dot_dimension_numbers<[1], [0], [0], [1], [0, 0, 1, 1], [], []>, transpose_lhs_hint = false} : vector<512x320xf32>, vector<320x256xf32>, vector<512x256xf32> -> vector<512x256xf32>
    %get3A_105 = arith.constant 0 : index
    %get3A_106 = arith.constant 0 : index
    %get3A_107 = vector.load %arg6[%get3A_105, %get3A_106] : memref<256x256xf32, #tpu.memory_space<vmem>>, vector<256x256xf32>
    %dot_general3A_108 = arith.constant dense<0.000000e+00> : vector<512x256xf32>
    %dot_general3A_109 = tpu.matmul %dot_general3A_99, %get3A_107, %dot_general3A_108 {dimension_numbers = #tpu.dot_dimension_numbers<[1], [0], [0], [1], [0, 0, 1, 1], [], []>, transpose_lhs_hint = false} : vector<512x256xf32>, vector<256x256xf32>, vector<512x256xf32> -> vector<512x256xf32>
    %add3A_110 = arith.addf %dot_general3A_104, %dot_general3A_109 : vector<512x256xf32>
    %get3A_111 = arith.constant 0 : index
    %get3A_112 = arith.constant 0 : index
    %get3A_113 = vector.load %arg7[%get3A_111, %get3A_112] : memref<1x256xf32, #tpu.memory_space<vmem>>, vector<1x256xf32>
    %add3A_114 = vector.broadcast %get3A_113 : vector<1x256xf32> to vector<512x256xf32>
    %add3A_115 = arith.addf %add3A_110, %add3A_114 : vector<512x256xf32>
    %max3A = arith.constant 0.000000e+00 : f32
    %max3A_116 = vector.broadcast %max3A : f32 to vector<512x256xf32>
    %max3A_117 = arith.maximumf %add3A_115, %max3A_116 : vector<512x256xf32>
    %get3A_118 = arith.constant 0 : index
    %get3A_119 = arith.constant 0 : index
    %get3A_120 = vector.load %arg8[%get3A_118, %get3A_119] : memref<256x128xf32, #tpu.memory_space<vmem>>, vector<256x128xf32>
    %dot_general3A_121 = arith.constant dense<0.000000e+00> : vector<512x128xf32>
    %dot_general3A_122 = tpu.matmul %max3A_117, %get3A_120, %dot_general3A_121 {dimension_numbers = #tpu.dot_dimension_numbers<[1], [0], [0], [1], [0, 0, 1, 1], [], []>, transpose_lhs_hint = false} : vector<512x256xf32>, vector<256x128xf32>, vector<512x128xf32> -> vector<512x128xf32>
    %get3A_123 = arith.constant 0 : index
    %get3A_124 = arith.constant 0 : index
    %get3A_125 = vector.load %arg9[%get3A_123, %get3A_124] : memref<1x128xf32, #tpu.memory_space<vmem>>, vector<1x128xf32>
    %add3A_126 = vector.broadcast %get3A_125 : vector<1x128xf32> to vector<512x128xf32>
    %add3A_127 = arith.addf %dot_general3A_122, %add3A_126 : vector<512x128xf32>
    %max3A_128 = arith.constant 0.000000e+00 : f32
    %max3A_129 = vector.broadcast %max3A_128 : f32 to vector<512x128xf32>
    %max3A_130 = arith.maximumf %add3A_127, %max3A_129 : vector<512x128xf32>
    %swap3A = arith.constant 0 : index
    %swap3A_131 = arith.constant 0 : index
    %swap3A_132 = arith.constant 0 : index
    %swap3A_133 = vector.load %arg10[%swap3A, %swap3A_131, %swap3A_132] : memref<1x512x128xf32, #tpu.memory_space<vmem>>, vector<1x512x128xf32>
    %swap3A_134 = vector.shape_cast %swap3A_133 : vector<1x512x128xf32> to vector<512x128xf32>
    %swap3A_135 = vector.shape_cast %max3A_130 : vector<512x128xf32> to vector<1x512x128xf32>
    tpu.vector_store %arg10[%swap3A, %swap3A_131, %swap3A_132], %swap3A_135 {strides = array<i32>} : memref<1x512x128xf32, #tpu.memory_space<vmem>>, vector<1x512x128xf32>,
    return
  }
  func.func @transform_0(%arg0: i32) -> (i32, i32, i32) {
    %c0_i32 = arith.constant 0 : i32
    %c0_i32_0 = arith.constant 0 : i32
    %c0_i32_1 = arith.constant 0 : i32
    return %arg0, %c0_i32, %c0_i32_0 : i32, i32, i32
  }
  func.func @transform_1(%arg0: i32) -> (i32, i32, i32) {
    %c0_i32 = arith.constant 0 : i32
    %c0_i32_0 = arith.constant 0 : i32
    %c0_i32_1 = arith.constant 0 : i32
    return %arg0, %c0_i32, %c0_i32_0 : i32, i32, i32
  }
  func.func @transform_2(%arg0: i32) -> (i32, i32, i32) {
    %c0_i32 = arith.constant 0 : i32
    %c0_i32_0 = arith.constant 0 : i32
    %c0_i32_1 = arith.constant 0 : i32
    return %arg0, %c0_i32, %c0_i32_0 : i32, i32, i32
  }
  func.func @transform_3(%arg0: i32) -> (i32, i32, i32) {
    %c0_i32 = arith.constant 0 : i32
    %c0_i32_0 = arith.constant 0 : i32
    %c0_i32_1 = arith.constant 0 : i32
    return %arg0, %c0_i32, %c0_i32_0 : i32, i32, i32
  }
  func.func @transform_4(%arg0: i32) -> (i32, i32) {
    %c0_i32 = arith.constant 0 : i32
    %c0_i32_0 = arith.constant 0 : i32
    %c0_i32_1 = arith.constant 0 : i32
    return %c0_i32, %c0_i32_0 : i32, i32
  }
  func.func @transform_5(%arg0: i32) -> (i32, i32) {
    %c0_i32 = arith.constant 0 : i32
    %c0_i32_0 = arith.constant 0 : i32
    %c0_i32_1 = arith.constant 0 : i32
    return %c0_i32, %c0_i32_0 : i32, i32
  }
  func.func @transform_6(%arg0: i32) -> (i32, i32) {
    %c0_i32 = arith.constant 0 : i32
    %c0_i32_0 = arith.constant 0 : i32
    %c0_i32_1 = arith.constant 0 : i32
    return %c0_i32, %c0_i32_0 : i32, i32
  }
  func.func @transform_7(%arg0: i32) -> (i32, i32) {
    %c0_i32 = arith.constant 0 : i32
    %c0_i32_0 = arith.constant 0 : i32
    %c0_i32_1 = arith.constant 0 : i32
    return %c0_i32, %c0_i32_0 : i32, i32
  }
  func.func @transform_8(%arg0: i32) -> (i32, i32) {
    %c0_i32 = arith.constant 0 : i32
    %c0_i32_0 = arith.constant 0 : i32
    %c0_i32_1 = arith.constant 0 : i32
    return %c0_i32, %c0_i32_0 : i32, i32
  }
  func.func @transform_9(%arg0: i32) -> (i32, i32, i32) {
    %c0_i32 = arith.constant 0 : i32
    %c0_i32_0 = arith.constant 0 : i32
    %c0_i32_1 = arith.constant 0 : i32
    return %arg0, %c0_i32, %c0_i32_0 : i32, i32, i32
  }
}

module attributes {stable_mosaic.version = 14 : i64} {
  func.func @_fp_body(%arg0: i32, %arg1: memref<1x2048x3xf32, #tpu.memory_space<vmem>>, %arg2: memref<1x512x3xf32, #tpu.memory_space<vmem>>, %arg3: memref<1x2048x25xf32, #tpu.memory_space<vmem>>, %arg4: memref<1x512x128xf32, #tpu.memory_space<vmem>>, %arg5: memref<25x128xf32, #tpu.memory_space<vmem>>, %arg6: memref<128x128xf32, #tpu.memory_space<vmem>>, %arg7: memref<1x128xf32, #tpu.memory_space<vmem>>, %arg8: memref<128x128xf32, #tpu.memory_space<vmem>>, %arg9: memref<1x128xf32, #tpu.memory_space<vmem>>, %arg10: memref<128x128xf32, #tpu.memory_space<vmem>>, %arg11: memref<1x128xf32, #tpu.memory_space<vmem>>, %arg12: memref<128x50xf32, #tpu.memory_space<vmem>>, %arg13: memref<1x50xf32, #tpu.memory_space<vmem>>, %arg14: memref<1x2048x50xf32, #tpu.memory_space<vmem>>) attributes {dimension_semantics = [#tpu.dimension_semantics<arbitrary>], iteration_bounds = array<i64: 4>, scalar_prefetch = 0 : i64, scratch_operands = 0 : i64, tpu.core_type = #tpu.core_type<tc>, window_params = [{transform_indices = @transform_0, window_bounds = array<i64: 1, 2048, 3>}, {transform_indices = @transform_1, window_bounds = array<i64: 1, 512, 3>}, {transform_indices = @transform_2, window_bounds = array<i64: 1, 2048, 25>}, {transform_indices = @transform_3, window_bounds = array<i64: 1, 512, 128>}, {pipeline_mode = #tpu.pipeline_mode<synchronous>, transform_indices = @transform_4, window_bounds = array<i64: 25, 128>}, {pipeline_mode = #tpu.pipeline_mode<synchronous>, transform_indices = @transform_5, window_bounds = array<i64: 128, 128>}, {pipeline_mode = #tpu.pipeline_mode<synchronous>, transform_indices = @transform_6, window_bounds = array<i64: 1, 128>}, {pipeline_mode = #tpu.pipeline_mode<synchronous>, transform_indices = @transform_7, window_bounds = array<i64: 128, 128>}, {pipeline_mode = #tpu.pipeline_mode<synchronous>, transform_indices = @transform_8, window_bounds = array<i64: 1, 128>}, {pipeline_mode = #tpu.pipeline_mode<synchronous>, transform_indices = @transform_9, window_bounds = array<i64: 128, 128>}, {pipeline_mode = #tpu.pipeline_mode<synchronous>, transform_indices = @transform_10, window_bounds = array<i64: 1, 128>}, {pipeline_mode = #tpu.pipeline_mode<synchronous>, transform_indices = @transform_11, window_bounds = array<i64: 128, 50>}, {pipeline_mode = #tpu.pipeline_mode<synchronous>, transform_indices = @transform_12, window_bounds = array<i64: 1, 50>}, {transform_indices = @transform_13, window_bounds = array<i64: 1, 2048, 50>}]} {
    %get3A = arith.constant 0 : index
    %get3A_0 = arith.constant 0 : index
    %get3A_1 = arith.constant 0 : index
    %get3A_2 = vector.load %arg1[%get3A, %get3A_0, %get3A_1] : memref<1x2048x3xf32, #tpu.memory_space<vmem>>, vector<1x2048x3xf32>
    %get3A_3 = vector.shape_cast %get3A_2 : vector<1x2048x3xf32> to vector<2048x3xf32>
    %get3A_4 = arith.constant 0 : index
    %get3A_5 = arith.constant 0 : index
    %get3A_6 = arith.constant 0 : index
    %get3A_7 = vector.load %arg2[%get3A_4, %get3A_5, %get3A_6] : memref<1x512x3xf32, #tpu.memory_space<vmem>>, vector<1x512x3xf32>
    %get3A_8 = vector.shape_cast %get3A_7 : vector<1x512x3xf32> to vector<512x3xf32>
    %get3A_9 = arith.constant 0 : index
    %get3A_10 = arith.constant 0 : index
    %get3A_11 = arith.constant 0 : index
    %get3A_12 = vector.load %arg3[%get3A_9, %get3A_10, %get3A_11] : memref<1x2048x25xf32, #tpu.memory_space<vmem>>, vector<1x2048x25xf32>
    %get3A_13 = vector.shape_cast %get3A_12 : vector<1x2048x25xf32> to vector<2048x25xf32>
    %get3A_14 = arith.constant 0 : index
    %get3A_15 = arith.constant 0 : index
    %get3A_16 = arith.constant 0 : index
    %get3A_17 = vector.load %arg4[%get3A_14, %get3A_15, %get3A_16] : memref<1x512x128xf32, #tpu.memory_space<vmem>>, vector<1x512x128xf32>
    %get3A_18 = vector.shape_cast %get3A_17 : vector<1x512x128xf32> to vector<512x128xf32>
    %dot_general3A = arith.constant dense<0.000000e+00> : vector<2048x512xf32>
    %dot_general3A_19 = tpu.matmul %get3A_3, %get3A_8, %dot_general3A {dimension_numbers = #tpu.dot_dimension_numbers<[1], [1], [0], [0], [0, 0, 1, 0], [], []>, transpose_lhs_hint = false} : vector<2048x3xf32>, vector<512x3xf32>, vector<2048x512xf32> -> vector<2048x512xf32>
    %mul3A = arith.constant -2.000000e+00 : f32
    %mul3A_20 = vector.broadcast %mul3A : f32 to vector<2048x512xf32>
    %mul3A_21 = arith.mulf %mul3A_20, %dot_general3A_19 : vector<2048x512xf32>
    %mul3A_22 = arith.mulf %get3A_3, %get3A_3 : vector<2048x3xf32>
    %reduce_sum3A = arith.constant dense<0.000000e+00> : vector<2048xf32>
    %reduce_sum3A_23 = vector.multi_reduction <add>, %mul3A_22, %reduce_sum3A [1] : vector<2048x3xf32> to vector<2048xf32>
    %broadcast_in_dim3A = vector.shape_cast %reduce_sum3A_23 : vector<2048xf32> to vector<2048x1xf32>
    %add3A = vector.broadcast %broadcast_in_dim3A : vector<2048x1xf32> to vector<2048x512xf32>
    %add3A_24 = arith.addf %mul3A_21, %add3A : vector<2048x512xf32>
    %mul3A_25 = arith.mulf %get3A_8, %get3A_8 : vector<512x3xf32>
    %reduce_sum3A_26 = arith.constant dense<0.000000e+00> : vector<512xf32>
    %reduce_sum3A_27 = vector.multi_reduction <add>, %mul3A_25, %reduce_sum3A_26 [1] : vector<512x3xf32> to vector<512xf32>
    %broadcast_in_dim3A_28 = vector.shape_cast %reduce_sum3A_27 : vector<512xf32> to vector<512x1xf32>
    %reshape3A = vector.shape_cast %broadcast_in_dim3A_28 : vector<512x1xf32> to vector<1x512xf32>
    %add3A_29 = vector.broadcast %reshape3A : vector<1x512xf32> to vector<2048x512xf32>
    %add3A_30 = arith.addf %add3A_24, %add3A_29 : vector<2048x512xf32>
    %broadcast_in_dim3A_31 = arith.constant 0.000000e+00 : f32
    %broadcast_in_dim3A_32 = vector.broadcast %broadcast_in_dim3A_31 : f32 to vector<2048x512xf32>
    %broadcast_in_dim3A_33 = arith.constant 0.000000e+00 : f32
    %broadcast_in_dim3A_34 = vector.broadcast %broadcast_in_dim3A_33 : f32 to vector<2048x1xf32>
    %iota3A = tpu.iota {dimensions = array<i32: 1>} : vector<2048x512xi32>
    %reduce_min3A = arith.constant dense<0x7F800000> : vector<2048xf32>
    %reduce_min3A_35 = vector.multi_reduction <minimumf>, %add3A_30, %reduce_min3A [1] : vector<2048x512xf32> to vector<2048xf32>
    %broadcast_in_dim3A_36 = vector.shape_cast %reduce_min3A_35 : vector<2048xf32> to vector<2048x1xf32>
    %argmin3A = tpu.reduce_index %add3A_30 {axis = 1 : i32, kind = #tpu.reduction_kind<arg_min>} : vector<2048x512xf32> -> vector<2048xi32>
    %broadcast_in_dim3A_37 = vector.shape_cast %argmin3A : vector<2048xi32> to vector<2048x1xi32>
    %eq3A = vector.broadcast %broadcast_in_dim3A_37 : vector<2048x1xi32> to vector<2048x512xi32>
    %eq3A_38 = arith.cmpi eq, %iota3A, %eq3A : vector<2048x512xi32>
    %convert_element_type3A = arith.extui %eq3A_38 : vector<2048x512xi1> to vector<2048x512xi32>
    %convert_element_type3A_39 = arith.sitofp %convert_element_type3A : vector<2048x512xi32> to vector<2048x512xf32>
    %add3A_40 = arith.constant 9.99999993E-9 : f32
    %add3A_41 = vector.broadcast %add3A_40 : f32 to vector<2048x1xf32>
    %add3A_42 = arith.addf %broadcast_in_dim3A_36, %add3A_41 : vector<2048x1xf32>
    %div3A = arith.constant 1.000000e+00 : f32
    %div3A_43 = vector.broadcast %div3A : f32 to vector<2048x1xf32>
    %div3A_44 = arith.divf %div3A_43, %add3A_42 : vector<2048x1xf32>
    %mul3A_45 = vector.broadcast %div3A_44 : vector<2048x1xf32> to vector<2048x512xf32>
    %mul3A_46 = arith.mulf %convert_element_type3A_39, %mul3A_45 : vector<2048x512xf32>
    %add3A_47 = arith.addf %broadcast_in_dim3A_32, %mul3A_46 : vector<2048x512xf32>
    %add3A_48 = arith.addf %broadcast_in_dim3A_34, %div3A_44 : vector<2048x1xf32>
    %gt3A = arith.constant 0.000000e+00 : f32
    %gt3A_49 = vector.broadcast %gt3A : f32 to vector<2048x512xf32>
    %gt3A_50 = arith.cmpf ogt, %convert_element_type3A_39, %gt3A_49 : vector<2048x512xf32>
    %jit3A = arith.constant 1.000000e+30 : f32
    %broadcast_in_dim3A_51 = vector.broadcast %jit3A : f32 to vector<2048x512xf32>
    %select_n3A = arith.select %gt3A_50, %broadcast_in_dim3A_51, %add3A_30 : vector<2048x512xi1>, vector<2048x512xf32>
    %reduce_min3A_52 = arith.constant dense<0x7F800000> : vector<2048xf32>
    %reduce_min3A_53 = vector.multi_reduction <minimumf>, %select_n3A, %reduce_min3A_52 [1] : vector<2048x512xf32> to vector<2048xf32>
    %broadcast_in_dim3A_54 = vector.shape_cast %reduce_min3A_53 : vector<2048xf32> to vector<2048x1xf32>
    %argmin3A_55 = tpu.reduce_index %select_n3A {axis = 1 : i32, kind = #tpu.reduction_kind<arg_min>} : vector<2048x512xf32> -> vector<2048xi32>
    %broadcast_in_dim3A_56 = vector.shape_cast %argmin3A_55 : vector<2048xi32> to vector<2048x1xi32>
    %eq3A_57 = vector.broadcast %broadcast_in_dim3A_56 : vector<2048x1xi32> to vector<2048x512xi32>
    %eq3A_58 = arith.cmpi eq, %iota3A, %eq3A_57 : vector<2048x512xi32>
    %convert_element_type3A_59 = arith.extui %eq3A_58 : vector<2048x512xi1> to vector<2048x512xi32>
    %convert_element_type3A_60 = arith.sitofp %convert_element_type3A_59 : vector<2048x512xi32> to vector<2048x512xf32>
    %add3A_61 = arith.constant 9.99999993E-9 : f32
    %add3A_62 = vector.broadcast %add3A_61 : f32 to vector<2048x1xf32>
    %add3A_63 = arith.addf %broadcast_in_dim3A_54, %add3A_62 : vector<2048x1xf32>
    %div3A_64 = arith.constant 1.000000e+00 : f32
    %div3A_65 = vector.broadcast %div3A_64 : f32 to vector<2048x1xf32>
    %div3A_66 = arith.divf %div3A_65, %add3A_63 : vector<2048x1xf32>
    %mul3A_67 = vector.broadcast %div3A_66 : vector<2048x1xf32> to vector<2048x512xf32>
    %mul3A_68 = arith.mulf %convert_element_type3A_60, %mul3A_67 : vector<2048x512xf32>
    %add3A_69 = arith.addf %add3A_47, %mul3A_68 : vector<2048x512xf32>
    %add3A_70 = arith.addf %add3A_48, %div3A_66 : vector<2048x1xf32>
    %gt3A_71 = arith.constant 0.000000e+00 : f32
    %gt3A_72 = vector.broadcast %gt3A_71 : f32 to vector<2048x512xf32>
    %gt3A_73 = arith.cmpf ogt, %convert_element_type3A_60, %gt3A_72 : vector<2048x512xf32>
    %jit3A_74 = arith.constant 1.000000e+30 : f32
    %broadcast_in_dim3A_75 = vector.broadcast %jit3A_74 : f32 to vector<2048x512xf32>
    %select_n3A_76 = arith.select %gt3A_73, %broadcast_in_dim3A_75, %select_n3A : vector<2048x512xi1>, vector<2048x512xf32>
    %reduce_min3A_77 = arith.constant dense<0x7F800000> : vector<2048xf32>
    %reduce_min3A_78 = vector.multi_reduction <minimumf>, %select_n3A_76, %reduce_min3A_77 [1] : vector<2048x512xf32> to vector<2048xf32>
    %broadcast_in_dim3A_79 = vector.shape_cast %reduce_min3A_78 : vector<2048xf32> to vector<2048x1xf32>
    %argmin3A_80 = tpu.reduce_index %select_n3A_76 {axis = 1 : i32, kind = #tpu.reduction_kind<arg_min>} : vector<2048x512xf32> -> vector<2048xi32>
    %broadcast_in_dim3A_81 = vector.shape_cast %argmin3A_80 : vector<2048xi32> to vector<2048x1xi32>
    %eq3A_82 = vector.broadcast %broadcast_in_dim3A_81 : vector<2048x1xi32> to vector<2048x512xi32>
    %eq3A_83 = arith.cmpi eq, %iota3A, %eq3A_82 : vector<2048x512xi32>
    %convert_element_type3A_84 = arith.extui %eq3A_83 : vector<2048x512xi1> to vector<2048x512xi32>
    %convert_element_type3A_85 = arith.sitofp %convert_element_type3A_84 : vector<2048x512xi32> to vector<2048x512xf32>
    %add3A_86 = arith.constant 9.99999993E-9 : f32
    %add3A_87 = vector.broadcast %add3A_86 : f32 to vector<2048x1xf32>
    %add3A_88 = arith.addf %broadcast_in_dim3A_79, %add3A_87 : vector<2048x1xf32>
    %div3A_89 = arith.constant 1.000000e+00 : f32
    %div3A_90 = vector.broadcast %div3A_89 : f32 to vector<2048x1xf32>
    %div3A_91 = arith.divf %div3A_90, %add3A_88 : vector<2048x1xf32>
    %mul3A_92 = vector.broadcast %div3A_91 : vector<2048x1xf32> to vector<2048x512xf32>
    %mul3A_93 = arith.mulf %convert_element_type3A_85, %mul3A_92 : vector<2048x512xf32>
    %add3A_94 = arith.addf %add3A_69, %mul3A_93 : vector<2048x512xf32>
    %add3A_95 = arith.addf %add3A_70, %div3A_91 : vector<2048x1xf32>
    %div3A_96 = vector.broadcast %add3A_95 : vector<2048x1xf32> to vector<2048x512xf32>
    %div3A_97 = arith.divf %add3A_94, %div3A_96 : vector<2048x512xf32>
    %dot_general3A_98 = arith.constant dense<0.000000e+00> : vector<2048x128xf32>
    %dot_general3A_99 = tpu.matmul %div3A_97, %get3A_18, %dot_general3A_98 {dimension_numbers = #tpu.dot_dimension_numbers<[1], [0], [0], [1], [0, 0, 1, 1], [], []>, transpose_lhs_hint = false} : vector<2048x512xf32>, vector<512x128xf32>, vector<2048x128xf32> -> vector<2048x128xf32>
    %get3A_100 = arith.constant 0 : index
    %get3A_101 = arith.constant 0 : index
    %get3A_102 = vector.load %arg5[%get3A_100, %get3A_101] : memref<25x128xf32, #tpu.memory_space<vmem>>, vector<25x128xf32>
    %dot_general3A_103 = arith.constant dense<0.000000e+00> : vector<2048x128xf32>
    %dot_general3A_104 = tpu.matmul %get3A_13, %get3A_102, %dot_general3A_103 {dimension_numbers = #tpu.dot_dimension_numbers<[1], [0], [0], [1], [0, 0, 1, 1], [], []>, transpose_lhs_hint = false} : vector<2048x25xf32>, vector<25x128xf32>, vector<2048x128xf32> -> vector<2048x128xf32>
    %get3A_105 = arith.constant 0 : index
    %get3A_106 = arith.constant 0 : index
    %get3A_107 = vector.load %arg6[%get3A_105, %get3A_106] : memref<128x128xf32, #tpu.memory_space<vmem>>, vector<128x128xf32>
    %dot_general3A_108 = arith.constant dense<0.000000e+00> : vector<2048x128xf32>
    %dot_general3A_109 = tpu.matmul %dot_general3A_99, %get3A_107, %dot_general3A_108 {dimension_numbers = #tpu.dot_dimension_numbers<[1], [0], [0], [1], [0, 0, 1, 1], [], []>, transpose_lhs_hint = false} : vector<2048x128xf32>, vector<128x128xf32>, vector<2048x128xf32> -> vector<2048x128xf32>
    %add3A_110 = arith.addf %dot_general3A_104, %dot_general3A_109 : vector<2048x128xf32>
    %get3A_111 = arith.constant 0 : index
    %get3A_112 = arith.constant 0 : index
    %get3A_113 = vector.load %arg7[%get3A_111, %get3A_112] : memref<1x128xf32, #tpu.memory_space<vmem>>, vector<1x128xf32>
    %add3A_114 = vector.broadcast %get3A_113 : vector<1x128xf32> to vector<2048x128xf32>
    %add3A_115 = arith.addf %add3A_110, %add3A_114 : vector<2048x128xf32>
    %max3A = arith.constant 0.000000e+00 : f32
    %max3A_116 = vector.broadcast %max3A : f32 to vector<2048x128xf32>
    %max3A_117 = arith.maximumf %add3A_115, %max3A_116 : vector<2048x128xf32>
    %get3A_118 = arith.constant 0 : index
    %get3A_119 = arith.constant 0 : index
    %get3A_120 = vector.load %arg8[%get3A_118, %get3A_119] : memref<128x128xf32, #tpu.memory_space<vmem>>, vector<128x128xf32>
    %dot_general3A_121 = arith.constant dense<0.000000e+00> : vector<2048x128xf32>
    %dot_general3A_122 = tpu.matmul %max3A_117, %get3A_120, %dot_general3A_121 {dimension_numbers = #tpu.dot_dimension_numbers<[1], [0], [0], [1], [0, 0, 1, 1], [], []>, transpose_lhs_hint = false} : vector<2048x128xf32>, vector<128x128xf32>, vector<2048x128xf32> -> vector<2048x128xf32>
    %get3A_123 = arith.constant 0 : index
    %get3A_124 = arith.constant 0 : index
    %get3A_125 = vector.load %arg9[%get3A_123, %get3A_124] : memref<1x128xf32, #tpu.memory_space<vmem>>, vector<1x128xf32>
    %add3A_126 = vector.broadcast %get3A_125 : vector<1x128xf32> to vector<2048x128xf32>
    %add3A_127 = arith.addf %dot_general3A_122, %add3A_126 : vector<2048x128xf32>
    %max3A_128 = arith.constant 0.000000e+00 : f32
    %max3A_129 = vector.broadcast %max3A_128 : f32 to vector<2048x128xf32>
    %max3A_130 = arith.maximumf %add3A_127, %max3A_129 : vector<2048x128xf32>
    %get3A_131 = arith.constant 0 : index
    %get3A_132 = arith.constant 0 : index
    %get3A_133 = vector.load %arg10[%get3A_131, %get3A_132] : memref<128x128xf32, #tpu.memory_space<vmem>>, vector<128x128xf32>
    %dot_general3A_134 = arith.constant dense<0.000000e+00> : vector<2048x128xf32>
    %dot_general3A_135 = tpu.matmul %max3A_130, %get3A_133, %dot_general3A_134 {dimension_numbers = #tpu.dot_dimension_numbers<[1], [0], [0], [1], [0, 0, 1, 1], [], []>, transpose_lhs_hint = false} : vector<2048x128xf32>, vector<128x128xf32>, vector<2048x128xf32> -> vector<2048x128xf32>
    %get3A_136 = arith.constant 0 : index
    %get3A_137 = arith.constant 0 : index
    %get3A_138 = vector.load %arg11[%get3A_136, %get3A_137] : memref<1x128xf32, #tpu.memory_space<vmem>>, vector<1x128xf32>
    %add3A_139 = vector.broadcast %get3A_138 : vector<1x128xf32> to vector<2048x128xf32>
    %add3A_140 = arith.addf %dot_general3A_135, %add3A_139 : vector<2048x128xf32>
    %max3A_141 = arith.constant 0.000000e+00 : f32
    %max3A_142 = vector.broadcast %max3A_141 : f32 to vector<2048x128xf32>
    %max3A_143 = arith.maximumf %add3A_140, %max3A_142 : vector<2048x128xf32>
    %get3A_144 = arith.constant 0 : index
    %get3A_145 = arith.constant 0 : index
    %get3A_146 = vector.load %arg12[%get3A_144, %get3A_145] : memref<128x50xf32, #tpu.memory_space<vmem>>, vector<128x50xf32>
    %dot_general3A_147 = arith.constant dense<0.000000e+00> : vector<2048x50xf32>
    %dot_general3A_148 = tpu.matmul %max3A_143, %get3A_146, %dot_general3A_147 {dimension_numbers = #tpu.dot_dimension_numbers<[1], [0], [0], [1], [0, 0, 1, 1], [], []>, transpose_lhs_hint = false} : vector<2048x128xf32>, vector<128x50xf32>, vector<2048x50xf32> -> vector<2048x50xf32>
    %get3A_149 = arith.constant 0 : index
    %get3A_150 = arith.constant 0 : index
    %get3A_151 = vector.load %arg13[%get3A_149, %get3A_150] : memref<1x50xf32, #tpu.memory_space<vmem>>, vector<1x50xf32>
    %add3A_152 = vector.broadcast %get3A_151 : vector<1x50xf32> to vector<2048x50xf32>
    %add3A_153 = arith.addf %dot_general3A_148, %add3A_152 : vector<2048x50xf32>
    %reduce_max3A = arith.constant dense<0xFF800000> : vector<2048xf32>
    %reduce_max3A_154 = vector.multi_reduction <maximumf>, %add3A_153, %reduce_max3A [1] : vector<2048x50xf32> to vector<2048xf32>
    %broadcast_in_dim3A_155 = vector.shape_cast %reduce_max3A_154 : vector<2048xf32> to vector<2048x1xf32>
    %sub3A = vector.broadcast %broadcast_in_dim3A_155 : vector<2048x1xf32> to vector<2048x50xf32>
    %sub3A_156 = arith.subf %add3A_153, %sub3A : vector<2048x50xf32>
    %exp3A = math.exp %sub3A_156 : vector<2048x50xf32>
    %reduce_sum3A_157 = arith.constant dense<0.000000e+00> : vector<2048xf32>
    %reduce_sum3A_158 = vector.multi_reduction <add>, %exp3A, %reduce_sum3A_157 [1] : vector<2048x50xf32> to vector<2048xf32>
    %broadcast_in_dim3A_159 = vector.shape_cast %reduce_sum3A_158 : vector<2048xf32> to vector<2048x1xf32>
    %log3A = math.log %broadcast_in_dim3A_159 : vector<2048x1xf32>
    %sub3A_160 = vector.broadcast %broadcast_in_dim3A_155 : vector<2048x1xf32> to vector<2048x50xf32>
    %sub3A_161 = arith.subf %add3A_153, %sub3A_160 : vector<2048x50xf32>
    %sub3A_162 = vector.broadcast %log3A : vector<2048x1xf32> to vector<2048x50xf32>
    %sub3A_163 = arith.subf %sub3A_161, %sub3A_162 : vector<2048x50xf32>
    %swap3A = arith.constant 0 : index
    %swap3A_164 = arith.constant 0 : index
    %swap3A_165 = arith.constant 0 : index
    %swap3A_166 = vector.load %arg14[%swap3A, %swap3A_164, %swap3A_165] : memref<1x2048x50xf32, #tpu.memory_space<vmem>>, vector<1x2048x50xf32>
    %swap3A_167 = vector.shape_cast %swap3A_166 : vector<1x2048x50xf32> to vector<2048x50xf32>
    %swap3A_168 = vector.shape_cast %sub3A_163 : vector<2048x50xf32> to vector<1x2048x50xf32>
    tpu.vector_store %arg14[%swap3A, %swap3A_164, %swap3A_165], %swap3A_168 {strides = array<i32>} : memref<1x2048x50xf32, #tpu.memory_space<vmem>>, vector<1x2048x50xf32>,
    return
  }
  func.func @transform_0(%arg0: i32) -> (i32, i32, i32) {
    %c0_i32 = arith.constant 0 : i32
    %c0_i32_0 = arith.constant 0 : i32
    %c0_i32_1 = arith.constant 0 : i32
    return %arg0, %c0_i32, %c0_i32_0 : i32, i32, i32
  }
  func.func @transform_1(%arg0: i32) -> (i32, i32, i32) {
    %c0_i32 = arith.constant 0 : i32
    %c0_i32_0 = arith.constant 0 : i32
    %c0_i32_1 = arith.constant 0 : i32
    return %arg0, %c0_i32, %c0_i32_0 : i32, i32, i32
  }
  func.func @transform_2(%arg0: i32) -> (i32, i32, i32) {
    %c0_i32 = arith.constant 0 : i32
    %c0_i32_0 = arith.constant 0 : i32
    %c0_i32_1 = arith.constant 0 : i32
    return %arg0, %c0_i32, %c0_i32_0 : i32, i32, i32
  }
  func.func @transform_3(%arg0: i32) -> (i32, i32, i32) {
    %c0_i32 = arith.constant 0 : i32
    %c0_i32_0 = arith.constant 0 : i32
    %c0_i32_1 = arith.constant 0 : i32
    return %arg0, %c0_i32, %c0_i32_0 : i32, i32, i32
  }
  func.func @transform_4(%arg0: i32) -> (i32, i32) {
    %c0_i32 = arith.constant 0 : i32
    %c0_i32_0 = arith.constant 0 : i32
    %c0_i32_1 = arith.constant 0 : i32
    return %c0_i32, %c0_i32_0 : i32, i32
  }
  func.func @transform_5(%arg0: i32) -> (i32, i32) {
    %c0_i32 = arith.constant 0 : i32
    %c0_i32_0 = arith.constant 0 : i32
    %c0_i32_1 = arith.constant 0 : i32
    return %c0_i32, %c0_i32_0 : i32, i32
  }
  func.func @transform_6(%arg0: i32) -> (i32, i32) {
    %c0_i32 = arith.constant 0 : i32
    %c0_i32_0 = arith.constant 0 : i32
    %c0_i32_1 = arith.constant 0 : i32
    return %c0_i32, %c0_i32_0 : i32, i32
  }
  func.func @transform_7(%arg0: i32) -> (i32, i32) {
    %c0_i32 = arith.constant 0 : i32
    %c0_i32_0 = arith.constant 0 : i32
    %c0_i32_1 = arith.constant 0 : i32
    return %c0_i32, %c0_i32_0 : i32, i32
  }
  func.func @transform_8(%arg0: i32) -> (i32, i32) {
    %c0_i32 = arith.constant 0 : i32
    %c0_i32_0 = arith.constant 0 : i32
    %c0_i32_1 = arith.constant 0 : i32
    return %c0_i32, %c0_i32_0 : i32, i32
  }
  func.func @transform_9(%arg0: i32) -> (i32, i32) {
    %c0_i32 = arith.constant 0 : i32
    %c0_i32_0 = arith.constant 0 : i32
    %c0_i32_1 = arith.constant 0 : i32
    return %c0_i32, %c0_i32_0 : i32, i32
  }
  func.func @transform_10(%arg0: i32) -> (i32, i32) {
    %c0_i32 = arith.constant 0 : i32
    %c0_i32_0 = arith.constant 0 : i32
    %c0_i32_1 = arith.constant 0 : i32
    return %c0_i32, %c0_i32_0 : i32, i32
  }
  func.func @transform_11(%arg0: i32) -> (i32, i32) {
    %c0_i32 = arith.constant 0 : i32
    %c0_i32_0 = arith.constant 0 : i32
    %c0_i32_1 = arith.constant 0 : i32
    return %c0_i32, %c0_i32_0 : i32, i32
  }
  func.func @transform_12(%arg0: i32) -> (i32, i32) {
    %c0_i32 = arith.constant 0 : i32
    %c0_i32_0 = arith.constant 0 : i32
    %c0_i32_1 = arith.constant 0 : i32
    return %c0_i32, %c0_i32_0 : i32, i32
  }
  func.func @transform_13(%arg0: i32) -> (i32, i32, i32) {
    %c0_i32 = arith.constant 0 : i32
    %c0_i32_0 = arith.constant 0 : i32
    %c0_i32_1 = arith.constant 0 : i32
    return %arg0, %c0_i32, %c0_i32_0 : i32, i32, i32
  }
}

</mosaic_0001>

<sc_bundles>
// kernel: gather_offload_async_start
scs
__scs_entry_jumppad:
0x0: {  	(pc) =	sbr.rel $0x88, $3  }
0x1: {  	(tag) =	ssettag $0x0;
	lr =	simm.s32 $0x1  }
0x2: {  	[smem:$0x3F39] =	sst lr;
	_ =	strace $0xD0000000  }
0x3: {  	_ = 	snop  }
0x4: {  	_ = 	snop  }
0x5: {  	_ = 	snop  }
0x6: {  	_ = 	snop  }
0x7: {  	_ = 	snop  }
__scs_overlays_trampoline_lowered:
0x8: {  	[smem:$0x3F48] =	sst s0  }
0x9: {  	[smem:$0x3F49] =	sst s1  }
0xa: {  	[smem:$0x3F4A] =	sst s2  }
0xb: {  	[smem:$0x3F4B] =	sst s3  }
0xc: {  	[smem:$0x3F4C] =	sst s4  }
0xd: {  	[smem:$0x3F4D] =	sst s5  }
0xe: {  	[smem:$0x3F4E] =	sst s6  }
0xf: {  	[smem:$0x3F4F] =	sst s7  }
0x10: {  	[smem:$0x3F50] =	sst s8  }
0x11: {  	[smem:$0x3F51] =	sst s9;
	s0 =	simm.s32 @!p0 $0x0  }
0x12: {  	s1 =	sld [smem:$0x3F37];
	s0 =	simm.s32 @p0 $0x1  }
0x13: {  	[smem:$0x3F52] =	sst s0;
	s0 =	simm.s32 @!p1 $0x0  }
0x14: {  	s2 =	sld [smem:$0x3F36];
	s0 =	simm.s32 @p1 $0x1  }
0x15: {  	[smem:$0x3F53] =	sst s0;
	s0 =	simm.s32 @!p2 $0x0  }
0x16: {  	s3 =	sld [smem:$0x3FDB];
	s0 =	simm.s32 @p2 $0x1  }
0x17: {  	s4 =	simm.s32 $0x1BF5;
	[smem:$0x3F55] =	sst s0  }
0x18: {  	s0 =	sld [smem:$0x3F38];
	_ =	swait.ge [sflag:s4], $0x0  }
0x19: {  	s7 =	sld [smem:$0x3F39]  }
0x1a: {  	s8 =	sadd.s32 $0xFFFFE003, lr  }
0x1b: {  	s9 =	sadd.s32 $0xFFFFFEF7, lr;
	s5 =	simm.s32 $0xFFFFFFFF;
	p2 =	slt.u32 s8, $0xFFFFF086  }
0x1c: {  	p1 =	slt.u32 s9, $0xF7A;
	s5 =	simm.s32 @!p2 $0x0  }
0x1d: {  	s5 =	simm.s32 @p1 $0x1;
	p0 =	seq.s32 s7, s2  }
0x1e: {  	s7 =	smul.u32 @!p0 $0xF7A, s2;
	p2 =	seq.s32 @!p0 s5, $0x0  }
0x1f: {  	s9 =	smul.u32 $0xF7A, s1;
	s8 =	simm.s32 @!p0 $0x1BF5;
	p2 =	por !p2, p0  }
0x20: {  	[sflag:s8] =	ssyncset.s32 @!p0 $0xFFFFF086;
	s6 =	sadd.s32 @!p0 s3, s7;
	s7 =	simm.s32 @!p0 $0x108  }
0x21: {  	s3 =	sadd.s32 s3, s9;
	s6 =	sadd.s32 @!p0 $0x88, s6;
	s7 =	simm.s32 @p2 $0x1082  }
0x22: {  	[simem:s7], [sflag:s8] =	dma.local @!p0 [hbm:s6], $0xF7A  }
0x23: {  	s9 =	sor.u32 $0xD0000000, s2;
	s6 =	simm.s32 $0x108;
	_ =	swait.ge @!p0 [sflag:s8], $0x0  }
0x24: {  	s3 =	sadd.s32 $0x88, s3;
	s6 =	simm.s32 @!p1 $0x1082;
	[sflag:s4] =	ssyncset.s32 $0xFFFFF086  }
0x25: {  	[simem:s6], [sflag:s4] =	dma.local [hbm:s3], $0xF7A  }
0x26: {  	[smem:$0x3F39] =	sst s1;
	(tag) =	ssettag s2;
	_ =	strace s9  }
0x27: {  	s1 =	sld [smem:$0x3F49]  }
0x28: {  	s2 =	sld [smem:$0x3F4A]  }
0x29: {  	s4 =	sld [smem:$0x3F4C]  }
0x2a: {  	p0 =	seq.s32 s5, $0x0;
	s5 =	sld [smem:$0x3F4D]  }
0x2b: {  	s6 =	sld [smem:$0x3F4E]  }
0x2c: {  	s7 =	sld [smem:$0x3F4F]  }
0x2d: {  	s3 =	simm.s32 $0x108;
	s8 =	sld [smem:$0x3F50]  }
0x2e: {  	s3 =	simm.s32 @!p0 $0x1082;
	s9 =	sld [smem:$0x3F51]  }
0x2f: {  	lr =	sadd.s32 s0, s3;
	s0 =	sld [smem:$0x3F48]  }
0x30: {  	s3 =	sld [smem:$0x3F4B]  }
0x31: {  	[smem:$0x3F54] =	sst s10  }
0x32: {  	s10 =	sld [smem:$0x3F52];
	_ =	sdelay $0x3  }
0x33: {  	p0 =	seq.s32 s10, $0x1;
	s10 =	sld [smem:$0x3F54];
	_ =	sdelay $0x3  }
0x34: {  	[smem:$0x3F54] =	sst s10  }
0x35: {  	s10 =	sld [smem:$0x3F53];
	_ =	sdelay $0x3  }
0x36: {  	p1 =	seq.s32 s10, $0x1;
	s10 =	sld [smem:$0x3F54];
	_ =	sdelay $0x3  }
0x37: {  	[smem:$0x3F54] =	sst s10  }
0x38: {  	s10 =	sld [smem:$0x3F55]  }
0x39: {  	_ = 	snop;
	(pc) =	sbr.ind lr, $3  }
0x3a: {  	_ = 	snop  }
0x3b: {  	_ = 	snop  }
0x3c: {  	p2 =	seq.s32 s10, $0x1;
	s10 =	sld [smem:$0x3F54]  }
0x3d: {  	_ =	shalt  }
0x3e: {  	_ =	shalt  }
0x3f: {  	_ =	shalt  }
0x40: {  	_ =	shalt  }
0x41: {  	_ =	shalt  }
0x42: {  	_ =	shalt  }
0x43: {  	_ =	shalt  }
0x44: {  	_ =	shalt  }
0x45: {  	_ =	shalt  }
0x46: {  	_ =	shalt  }
0x47: {  	_ =	shalt  }
0x48: {  	_ =	shalt  }
0x49: {  	_ =	shalt  }
0x4a: {  	_ =	shalt  }
0x4b: {  	_ =	shalt  }
0x4c: {  	_ =	shalt  }
0x4d: {  	_ =	shalt  }
0x4e: {  	_ =	shalt  }
0x4f: {  	_ =	shalt  }
0x50: {  	_ =	shalt  }
0x51: {  	_ =	shalt  }
0x52: {  	_ =	shalt  }
0x53: {  	_ =	shalt  }
0x54: {  	_ =	shalt  }
0x55: {  	_ =	shalt  }
0x56: {  	_ =	shalt  }
0x57: {  	_ =	shalt  }
0x58: {  	_ =	shalt  }
0x59: {  	_ =	shalt  }
0x5a: {  	_ =	shalt  }
0x5b: {  	_ =	shalt  }
0x5c: {  	_ =	shalt  }
0x5d: {  	_ =	shalt  }
0x5e: {  	_ =	shalt  }
0x5f: {  	_ =	shalt  }
0x60: {  	_ =	shalt  }
0x61: {  	_ =	shalt  }
0x62: {  	_ =	shalt  }
0x63: {  	_ =	shalt  }
0x64: {  	_ =	shalt  }
0x65: {  	_ =	shalt  }
0x66: {  	_ =	shalt  }
0x67: {  	_ =	shalt  }
0x68: {  	_ =	shalt  }
0x69: {  	_ =	shalt  }
0x6a: {  	_ =	shalt  }
0x6b: {  	_ =	shalt  }
0x6c: {  	_ =	shalt  }
0x6d: {  	_ =	shalt  }
0x6e: {  	_ =	shalt  }
0x6f: {  	_ =	shalt  }
0x70: {  	_ =	shalt  }
0x71: {  	_ =	shalt  }
0x72: {  	_ =	shalt  }
0x73: {  	_ =	shalt  }
0x74: {  	_ =	shalt  }
0x75: {  	_ =	shalt  }
0x76: {  	_ =	shalt  }
0x77: {  	_ =	shalt  }
0x78: {  	_ =	shalt  }
0x79: {  	_ =	shalt  }
0x7a: {  	_ =	shalt  }
0x7b: {  	_ =	shalt  }
0x7c: {  	_ =	shalt  }
0x7d: {  	_ =	shalt  }
0x7e: {  	_ =	shalt  }
0x7f: {  	_ =	shalt  }
0x80: {  	_ =	shalt  }
0x81: {  	_ =	shalt  }
0x82: {  	_ =	shalt  }
0x83: {  	_ =	shalt  }
0x84: {  	_ =	shalt  }
0x85: {  	_ =	shalt  }
0x86: {  	_ =	shalt  }
0x87: {  	_ =	shalt  }
.Lfunc_end0:
.L_simem_size_0:
called_computation_lowered:
.L_overlay_start_0:
0x88: {  	s2 =	sld [smem:$0x3FD9]  }
0x89: {  	s3 =	sld [smem:$0x3FFE];
	_ =	sdelay $0x1  }
0x8a: {  	s1 =	srdreg.scid  }
0x8b: {  	s0 =	sand.u32 $0x1, s1  }
0x8c: {  	s14 =	sshll.u32 s0, $0xA;
	s2 =	sadd.s32 s3, s2  }
0x8d: {  	s2 =	sadd.s32 s2, s14  }
0x8e: {  	[smem:$0x3F60] =	sst s2  }
0x8f: {  	_ = 	snop  }
0x90: {  	s2 =	sld [smem:$0x3FD0];
	_ =	sdelay $0x2  }
0x91: {  	s15 =	simm.s32 $0xA;
	s4 =	simm.s32 $0x10  }
0x92: {  	[smem:s4], [sflag:s15] =	dma.local [hbm:s2], $0x1  }
0x93: {  	_ =	swait.eq [sflag:s15], $0x1  }
0x94: {  	[sflag:s15] =	ssyncset.done $0x0  }
0x95: {  	[sflag:s15] =	ssyncadd.s32 $0xFFFFFFFF  }
0x96: {  	s16 =	sld [smem:$0x10];
	(tm) =	ssettm $0x1  }
0x97: {  	s17 =	sld [smem:$0x3FFB];
	_ =	sdelay $0x3  }
0x98: {  	_ =	strace s17  }
0x99: {  	s3 =	sld [smem:$0x3FFC];
	_ =	sdelay $0x3  }
0x9a: {  	_ =	strace s3  }
0x9b: {  	s3 =	sld [smem:$0x3FFD];
	_ =	sdelay $0x3  }
0x9c: {  	_ =	strace s3  }
0x9d: {  	_ =	strace $0x8FFFFFFF  }
0x9e: {  	s18 =	sld [smem:$0x3FDB];
	_ =	sdelay $0x1  }
0x9f: {  	s19 =	simm.s32 $_scs_section_size  }
0xa0: {  	s5 =	simm.s32 $_size__tile_overlayer_lowered;
	s6 =	simm.s32 $_tile_overlayer_lowered  }
0xa1: {  	s22 =	simm.s32 $0x1BFF;
	s21 =	sshll.u32 s6, $0x1;
	s3 =	sadd.s32 s19, s18  }
0xa2: {  	s7 =	simm.s32 $0x0;
	s20 =	sshll.u32 s5, $0x1;
	s5 =	sadd.s32 s21, s3  }
0xa3: {  	[timem:s7], [sflag:s22] =	dma.local [hbm:s5], s20  }
0xa4: {  	_ =	swait.ge [sflag:s22], s20  }
0xa5: {  	s4 =	ssub.s32 $0x0, s20;
	[sflag:s22] =	ssyncset.done $0x0  }
0xa6: {  	[sflag:s22] =	ssyncadd.s32 s4;
	_ =	sdelay $0x1  }
0xa7: {  	s23 =	simm.s32 $0x1B8B  }
0xa8: {  	_ =	swait.ge [sflag:s23], $0x1  }
0xa9: {  	[sflag:s23] =	ssyncset.done $0x0  }
0xaa: {  	s25 =	simm.s32 $0x1B8E;
	s24 =	sld [smem:$0x3FFE];
	[sflag:s23] =	ssyncadd.s32 $0xFFFFFFFF  }
0xab: {  	s26 =	simm.s32 $execute0_lowered;
	[smem:$0x3FD2] =	sst s25  }
0xac: {  	s5 =	sshll.u32 s26, $0x1;
	_ =	strace $0x80000046;
	[dreg:$0x1] =	wrdreg $0xFFFFFFFF  }
0xad: {  	s28 =	simm.s32 $_size_execute0_lowered;
	s3 =	sadd.s32 s3, s5;
	[dreg:$0x0] =	wrdreg $0x0  }
0xae: {  	s5 =	sshll.u32 s28, $0x1;
	[dreg:$0x2] =	wrdreg s3  }
0xaf: {  	[dreg:$0x3] =	wrdreg s5  }
0xb0: {  	[dreg:$0x4] =	wrdreg $0xC0  }
0xb1: {  	_ =	task [dreg:s7], $0x5FFFF  }
0xb2: {  	[dreg:$0x1] =	wrdreg $0xFFFFFFFF  }
0xb3: {  	[dreg:$0x0] =	wrdreg $0x60  }
0xb4: {  	[dreg:$0x2] =	wrdreg s24  }
0xb5: {  	[dreg:$0x3] =	wrdreg s16  }
0xb6: {  	[dreg:$0x4] =	wrdreg $0x9  }
0xb7: {  	_ =	task.clear_ibuf [dreg:s7], $0x5FFFF;
	_ =	strace $0x90000046  }
0xb8: {  	s29 =	simm.s32 $0x9;
	_ =	strace $0x80000048  }
0xb9: {  	_ =	swait.ge [sflag:s29], $0x1  }
0xba: {  	[sflag:s29] =	ssyncadd.s32 $0xFFFFFFFF  }
0xbb: {  	_ =	strace $0x90000048  }
0xbc: {  	_ =	sfence  }
0xbd: {  	s30 =	sld [smem:$0x0];
	_ =	sdelay $0x2  }
0xbe: {  	s31 =	sshll.u32 s1, $0xD;
	s1 =	sshrl.u32 s1, $0x2  }
0xbf: {  	s3 =	sand.u32 $0x4000, s31;
	s1 =	sadd.s32 s1, s30  }
0xc0: {  	s0 =	sor.u32 s3, s0;
	s1 =	sshll.u32 s1, $0x11  }
0xc1: {  	s0 =	sor.u32 s1, s0  }
0xc2: {  	s0 =	sadd.s32 $0x8F2B, s0  }
0xc3: {  	[sflag:s0] =	ssyncadd.remote.s32 $0x1  }
0xc4: {  	_ =	sfence.sel $0xFFFF  }
0xc5: {  	[dreg:$0x0] =	wrdreg $0xFFFFFFFF;
	(pc) =	sbr.abs _section_cstart, $3  }
0xc6: {  	[dreg:$0x1] =	wrdreg $0xFFFFFFFF  }
0xc7: {  	_ =	task.clear_ibuf [dreg:s7], $0x2FFFF;
	_ =	strace $0x9FFFFFFF  }
0xc8: {  	(tm) =	ssettm $0x7FFFFFFF  }
0xc9: {  	_ =	shalt  }
tec
execute0_lowered:
.L_overlay_start_1:
0x0: {  	(tag) =	ssettag $0x1  }
0x1: {  	s7 =	rddreg [dreg:$0x0]  }
0x2: {  	s2 =	rddreg [dreg:$0x1]  }
0x3: {  	s0 =	rddreg [dreg:$0x2]  }
0x4: {  	s1 =	srdreg.scid;
	_ =	strace $0x80000047;
	s4 =	simm.s32 $0x1  }
0x5: {  	s9 =	simm.s32 $0x3;
	s12 =	simm.s32 $0x0;
	s5 =	sshll.u32 s1, $0x4  }
.Ltmp0:
0x6: {  	s1 =	stileid.u32;
	s5 =	sand.u32 $0x10, s5;
	(pc) =	sbr.rel .LBB2_1-.Ltmp0, $4  }
0x7: {  	s10 =	simm.s32 $0x0;
	s3 =	sadd.s32 $0x28A00, s7;
	s6 =	sor.u32 s1, s5  }
0x8: {  	[sflag:s4] =	ssyncpa.u1 $0x0;
	s5 =	simm.s32 $0x2;
	s6 =	sshll.u32 s6, $0x6  }
0x9: {  	s7 =	sadd.s32 $0x48A00, s7;
	[sflag:s5] =	ssyncpa.u1 $0x0;
	s8 =	sadd.s32 $0x40, s6  }
0xa: {  	vm0 =	vmmov $0xff;
	vm1 =	vcmask $0x3F20;
	[sflag:s9] =	ssyncpa.u1 $0x0;
	s9 =	simm.s32 $0x40;
	s11 =	smov.u32 s6  }
.LBB2_9:
0xb: {  	p0 =	seq.s32 s10, $0x2  }
.Ltmp1:
0xc: {  	_ = 	snop;
	(pc) =	sbr.rel @p0 .LBB2_11-.Ltmp1, $1  }
0xd: {  	_ =	sdelay $0x3  }
.LBB2_10:
0xe: {  	s12 =	sadd.s32 $0x40, s11  }
0xf: {  	s13 =	smov.u32 s6;
	p0 =	slt.s32 s12, s8  }
0x10: {  	s13 =	smov.u32 @p0 s12  }
0x11: {  	s10 =	sadd.s32 $0x1, s10;
	s12 =	smov.u32 s11;
	s11 =	smov.u32 s13  }
.LBB2_1:
0x12: {  	p0 =	sne.s32 s10, $0x0  }
.Ltmp2:
0x13: {  	_ = 	snop;
	(pc) =	sbr.rel @!p0 .LBB2_2-.Ltmp2, $1  }
0x14: {  	_ =	sdelay $0x3  }
0x15: {  	s13 =	sand.u32 $0x1, s10  }
0x16: {  	p0 =	seq.s32 s13, $0x0  }
.Ltmp3:
0x17: {  	_ = 	snop;
	(pc) =	sbr.rel @p0 .LBB2_9-.Ltmp3, $1  }
0x18: {  	_ =	sdelay $0x3  }
0x19: {  	_ =	swait.ge [sflag:s5], $0x40  }
0x1a: {  	[sflag:s5] =	ssyncset.done $0x0  }
0x1b: {  	s13 =	simm.s32 $0x0;
	[sflag:s5] =	ssyncadd.s32 $0xFFFFFFC0  }
0x1c: {  	v0 =	vld.msk [tilespmem:s13+$0x40 ss:$0x1], $0xffff;
	_ =	sdelay $0x4  }
0x1d: {  	v1 =	vshll.u32 v0, $0x5  }
0x1e: {  	vm2 =	veq.s32 v0, $0x80000000;
	v0 =	vshll.u32 v0, $0x12;
	v1 =	vand.u32 $0x3FF80, v1  }
0x1f: {  	v0 =	vand.u32 $0xC0000, v0;
	v1 =	vsel vm2, $0xFFFFFF80, v1  }
0x20: {  	v0 =	vsel vm2, $0xFFFC0000, v0;
	v2 =	vand.u32 $0xFFFFFC00, v1  }
0x21: {  	v1 =	vand.u32 $0x380, v1;
	v0 =	vadd.s32 v0, v2  }
0x22: {  	v0 =	vor.u32 v1, v0  }
0x23: {  	v0 =	vshrl.u32 v0, $0x3;
	_ =	sdelay $0x3  }
0x24: {  	s13 =	simm.s32 $0x2080  }
0x25: {  	[tilespmem:s13], [sflag:$0x1] =	stream.indirect_vreg.gather [hbm:s3], $0x80, v0, vm0, $0x38;
	[tilespmem:$0x4080] =	vst v63  }
0x26: {  	s14 =	simm.s32 $0x2480;
	s31 =	simm.s32 $0x10  }
0x27: {  	[tilespmem:s14], [sflag:$0x1] =	stream.indirect_vreg.gather [hbm:s3], $0x80, v0, vm1, $0x38;
	[tilespmem:$0x4080] =	vst v63  }
0x28: {  	s14 =	simm.s32 $0x80;
	v0 =	vld.msk [tilespmem:s31+$0x40 ss:$0x1], $0xffff  }
.LBB2_5:
0x29: {  	p0 =	sne.s32 s14, $0xC0;
	_ =	sdelay $0x4  }
0x2a: {  	v1 =	vshll.u32 v0, $0x5  }
0x2b: {  	vm2 =	veq.s32 v0, $0x80000000;
	v0 =	vshll.u32 v0, $0x12;
	v1 =	vand.u32 $0x3FF80, v1  }
0x2c: {  	v0 =	vand.u32 $0xC0000, v0;
	v1 =	vsel vm2, $0xFFFFFF80, v1  }
0x2d: {  	v0 =	vsel vm2, $0xFFFC0000, v0;
	v2 =	vand.u32 $0xFFFFFC00, v1  }
0x2e: {  	v1 =	vand.u32 $0x380, v1;
	v0 =	vadd.s32 v0, v2  }
0x2f: {  	v0 =	vor.u32 v1, v0  }
0x30: {  	v0 =	vshrl.u32 v0, $0x3;
	_ =	sdelay $0x3  }
.Ltmp4:
0x31: {  	s13 =	sadd.s32 $0x800, s13;
	(pc) =	sbr.rel @p0 .LBB2_5-.Ltmp4, $4  }
0x32: {  	[tilespmem:s13], [sflag:$0x1] =	stream.indirect_vreg.gather [hbm:s3], $0x80, v0, vm0, $0x38;
	[tilespmem:$0x4080] =	vst v63  }
0x33: {  	s15 =	sshra.s32 s14, $0x2;
	s16 =	sadd.s32 $0x400, s13  }
0x34: {  	[tilespmem:s16], [sflag:$0x1] =	stream.indirect_vreg.gather [hbm:s3], $0x80, v0, vm1, $0x38;
	[tilespmem:$0x4080] =	vst v63  }
0x35: {  	s14 =	sadd.s32 $0x40, s14;
	v0 =	vld.msk [tilespmem:s15+$0x40 ss:$0x1], $0xffff  }
0x36: {  	_ =	sdelay $0x3  }
0x37: {  	v1 =	vshll.u32 v0, $0x5  }
0x38: {  	vm2 =	veq.s32 v0, $0x80000000;
	v63 =	vshll.u32 v0, $0x12;
	v1 =	vand.u32 $0x3FF80, v1  }
0x39: {  	v0 =	vand.u32 $0xC0000, v63;
	v1 =	vsel vm2, $0xFFFFFF80, v1  }
0x3a: {  	v0 =	vsel vm2, $0xFFFC0000, v0;
	v2 =	vand.u32 $0xFFFFFC00, v1  }
0x3b: {  	v1 =	vand.u32 $0x380, v1;
	v0 =	vadd.s32 v0, v2  }
0x3c: {  	v0 =	vor.u32 v1, v0  }
0x3d: {  	v0 =	vshrl.u32 v0, $0x3;
	_ =	sdelay $0x3  }
0x3e: {  	s13 =	sadd.s32 $0x800, s13  }
0x3f: {  	[tilespmem:s13], [sflag:$0x1] =	stream.indirect_vreg.gather [hbm:s3], $0x80, v0, vm0, $0x38;
	[tilespmem:$0x4080] =	vst v63  }
0x40: {  	s13 =	sadd.s32 $0x400, s13  }
0x41: {  	[tilespmem:s13], [sflag:$0x1] =	stream.indirect_vreg.gather [hbm:s3], $0x80, v0, vm1, $0x38;
	[tilespmem:$0x4080] =	vst v63  }
0x42: {  	s12 =	sshll.u32 s12, $0x4;
	s14 =	simm.s32 $0x80;
	_ =	swait.ge [sflag:s4], $0x2000  }
0x43: {  	s15 =	simm.s32 $0x2480;
	s12 =	sadd.s32 s12, s2;
	[sflag:s4] =	ssyncset.done $0x0  }
0x44: {  	s16 =	sadd.s32 $0x0, s12;
	s13 =	simm.s32 $0x2080;
	[sflag:s4] =	ssyncadd.s32 $0xFFFFE000  }
.LBB2_7:
0x45: {  	[hbm:s16] =	stream.linear.scatter [tilespmem:s13], [sflag:$0x3], $0x400, $0x38;
	[tilespmem:$0x4080] =	vst v63  }
0x46: {  	s16 =	smov.u32 s14;
	s13 =	smov.u32 s15;
	p0 =	sne.s32 s14, $0x380  }
.Ltmp5:
0x47: {  	s14 =	sadd.s32 $0x80, s14;
	(pc) =	sbr.rel @p0 .LBB2_7-.Ltmp5, $2  }
0x48: {  	_ =	sdelay $0x2  }
0x49: {  	s15 =	sadd.s32 $0x400, s15;
	s16 =	sadd.s32 s16, s12  }
.Ltmp6:
0x4a: {  	(pc) =	sbr.rel .LBB2_9-.Ltmp6, $2  }
0x4b: {  	_ =	sdelay $0x2  }
0x4c: {  	[hbm:s16] =	stream.linear.scatter [tilespmem:s13], [sflag:$0x3], $0x400, $0x38;
	[tilespmem:$0x4080] =	vst v63  }
.LBB2_2:
.Ltmp7:
0x4d: {  	(pc) =	sbr.rel .LBB2_10-.Ltmp7, $4  }
0x4e: {  	_ = 	snop  }
0x4f: {  	s12 =	sshrl.u32 s11, $0x3  }
0x50: {  	s13 =	sand.u32 $0x7, s11;
	s12 =	sadd.s32 s7, s12  }
0x51: {  	[tilespmem:s9], [sflag:$0x2] =	stream.linear.gather [hbm4b:s12+s13], $0x40, $0x38;
	[tilespmem:$0x4080] =	vst v63  }
.LBB2_11:
0x52: {  	s2 =	simm.s32 $0x3  }
0x53: {  	_ =	swait.ge [sflag:s2], $0x2000  }
0x54: {  	[sflag:s2] =	ssyncset.done $0x0  }
0x55: {  	[sflag:s2] =	ssyncadd.s32 $0xFFFFE000  }
0x56: {  	_ =	sfence.sel $0x180000  }
0x57: {  	s3 =	simm.s32 $0x2;
	[bflag:$0x0] =	sbarrier.arrive $0xFFFF  }
0x58: {  	[sflag:s3] =	ssyncpa.u1 $0x1  }
0x59: {  	s31 =	simm.s32 $0x1;
	[sflag:s2] =	ssyncpa.u1 $0x1  }
0x5a: {  	[sflag:s31] =	ssyncpa.u1 $0x1  }
0x5b: {  	p0 =	sne.s32 s1, $0x0;
	_ =	strace $0x90000047  }
0x5c: {  	s0 =	sadd.s32 @!p0 $0x100000, s0;
	[bflag:$0x2] =	sbarrier.arrive $0xFFFF  }
0x5d: {  	[sflag:s0] =	ssyncadd.tile.s32 @!p0 $0x1;
	_ =	shalt  }
.Lfunc_end2:
_tile_overlayer_lowered:
.L_overlay_start_2:
0x5e: {  	(tag) =	ssettag $0x2  }
0x5f: {  	s0 =	rddreg [dreg:$0x0];
	s2 =	stileid.u32  }
0x60: {  	s1 =	rddreg [dreg:$0x1];
	p0 =	sne.s32 s2, $0x0  }
0x61: {  	s3 =	rddreg [dreg:$0x2];
	[bflag:$0x3] =	sbarrier.arrive $0xFFFF;
	s2 =	simm.s32 @!p0 $0x1C01  }
0x62: {  	[timem:s3], [sflag:s2] =	dma.local @!p0 [hbm:s0], s1  }
0x63: {  	s0 =	simm.s32 @!p0 $0x1  }
0x64: {  	_ =	swait.ge @!p0 [sflag:s0], s1  }
0x65: {  	s1 =	ssub.s32 @!p0 $0x0, s1;
	[sflag:s0] =	ssyncset.done @!p0 $0x0  }
0x66: {  	[sflag:s0] =	ssyncadd.s32 @!p0 s1  }
0x67: {  	[bflag:$0x3] =	sbarrier.arrive $0xFFFF  }
0x68: {  	_ =	shalt  }

</sc_bundles>
